<compile_context>
chip_gen: v7x
topology: tpu7x:2x2x1
jax: 0.10.2.dev20260603
libtpu: 0.0.44.dev20260713+nightly
codegen_flags: <defaults>
</compile_context>

<pallas_src>
import functools

import jax
import jax.numpy as jnp
from jax.experimental import pallas as pl
from jax.experimental.pallas import tpu as pltpu

_Q = 1024
_D = 16
_KBLK = 2048
_C = 64
_BIGF = float(2 ** 25)


def _dist_block(x, pt):
    dot = jax.lax.dot_general(
        x, pt, (((1,), (0,)), ((), ())),
        preferred_element_type=jnp.float32,
        precision=jax.lax.Precision.DEFAULT,
    )
    x2 = jnp.sum(x * x, axis=1, keepdims=True)
    p2 = jnp.sum(pt * pt, axis=0, keepdims=True)
    return x2 + p2 - 2.0 * dot


def _scan_kernel(x_ref, pt_ref, out_ref):
    v = _dist_block(x_ref[...], pt_ref[...])
    out_ref[0] = jnp.min(v, axis=1, keepdims=True)


def _first_hit(v, t):
    lane = jax.lax.broadcasted_iota(jnp.int32, v.shape, 1).astype(jnp.float32)
    hit = jnp.where(v <= t, lane, _BIGF)
    return jnp.min(hit, axis=1, keepdims=True)


def _rescore_kernel(xg_ref, pt_ref, tg_ref, out_ref):
    b = pl.program_id(0)
    xg = xg_ref[0]
    tg = tg_ref[0]
    v = _dist_block(xg, pt_ref[...])
    out_ref[0] = _first_hit(v, tg) + b * float(_KBLK)


def _sweep_kernel(nsteps, x_ref, pt_ref, t_ref, out_ref, mini_ref):
    step = pl.program_id(0)
    v = _dist_block(x_ref[...], pt_ref[...])
    bidx = _first_hit(v, t_ref[...]) + step * float(_KBLK)

    @pl.when(step == 0)
    def _():
        mini_ref[...] = bidx

    @pl.when(step > 0)
    def _():
        mini_ref[...] = jnp.minimum(mini_ref[...], bidx)

    @pl.when(step == nsteps - 1)
    def _():
        out_ref[...] = mini_ref[...].astype(jnp.int32)


def _tie_threshold(m):
    s = jnp.sqrt(m)
    base = jax.lax.bitcast_convert_type(s * s, jnp.int32)
    t = m
    for off in range(-2, 8):
        c = jax.lax.bitcast_convert_type(jnp.maximum(base + off, 0), jnp.float32)
        t = jnp.where(jnp.sqrt(c) == s, jnp.maximum(t, c), t)
    return t


def kernel(X, Phi):
    k = Phi.shape[0]
    nsteps = -(-k // _KBLK)
    kpad = nsteps * _KBLK
    phi_t = jnp.pad(Phi.T, ((0, 0), (0, kpad - k)), constant_values=1e17)

    blkmin = pl.pallas_call(
        _scan_kernel,
        grid=(nsteps,),
        in_specs=[
            pl.BlockSpec((_Q, _D), lambda j: (0, 0)),
            pl.BlockSpec((_D, _KBLK), lambda j: (0, j)),
        ],
        out_specs=pl.BlockSpec((1, _Q, 1), lambda j: (j, 0, 0)),
        out_shape=jax.ShapeDtypeStruct((nsteps, _Q, 1), jnp.float32),
    )(X, phi_t)
    blkmin = blkmin.reshape(nsteps, _Q).T

    m = jnp.maximum(jnp.min(blkmin, axis=1), 0.0)
    t = _tie_threshold(m)
    cand = blkmin <= t[:, None]
    counts = jnp.sum(cand.astype(jnp.int32), axis=0)
    overflow = jnp.any(counts > _C)

    enc = jnp.where(cand, _Q - jnp.arange(_Q, dtype=jnp.int32)[:, None], 0)
    vals = jax.lax.top_k(enc.T, _C)[0]
    lists = jnp.where(vals > 0, _Q - vals, _Q)

    x_pad = jnp.concatenate([X, jnp.zeros((1, _D), X.dtype)], axis=0)
    t_pad = jnp.concatenate([t, jnp.full((1,), -jnp.inf, t.dtype)], axis=0)
    xg = x_pad[lists]
    tg = t_pad[lists][..., None]

    def fast_path(_):
        idx = pl.pallas_call(
            _rescore_kernel,
            grid=(nsteps,),
            in_specs=[
                pl.BlockSpec((1, _C, _D), lambda j: (j, 0, 0)),
                pl.BlockSpec((_D, _KBLK), lambda j: (0, j)),
                pl.BlockSpec((1, _C, 1), lambda j: (j, 0, 0)),
            ],
            out_specs=pl.BlockSpec((1, _C, 1), lambda j: (j, 0, 0)),
            out_shape=jax.ShapeDtypeStruct((nsteps, _C, 1), jnp.float32),
        )(xg, phi_t, tg)
        idx = idx.reshape(nsteps * _C).astype(jnp.int32)
        out = jnp.full((_Q + 1,), 2 ** 30, jnp.int32)
        out = out.at[lists.reshape(-1)].min(idx, mode="drop")
        return out[:_Q]

    def slow_path(_):
        out = pl.pallas_call(
            functools.partial(_sweep_kernel, nsteps),
            grid=(nsteps,),
            in_specs=[
                pl.BlockSpec((_Q, _D), lambda j: (0, 0)),
                pl.BlockSpec((_D, _KBLK), lambda j: (0, j)),
                pl.BlockSpec((_Q, 1), lambda j: (0, 0)),
            ],
            out_specs=pl.BlockSpec((_Q, 1), lambda j: (0, 0)),
            out_shape=jax.ShapeDtypeStruct((_Q, 1), jnp.int32),
            scratch_shapes=[pltpu.VMEM((_Q, 1), jnp.float32)],
        )(X, phi_t, t[:, None])
        return out.reshape(-1)

    return jax.lax.cond(overflow, slow_path, fast_path, operand=None)

# --- scband reference (transcript-rebuilt; emitter-appended) ---
"""Pipeline reference for scband-kmeans-24532853195390 (READ-ONLY COPY).

The authoritative reference and input builder live on the scoring server;
editing this copy changes nothing except your own understanding.
"""

import jax, jax.numpy as jnp
import numpy as np


def setup_inputs(seed: int = 0) -> dict:
    key = jax.random.key(seed)
    k1, k2 = jax.random.split(key)
    X = jax.random.normal(k1, (1024, 16), dtype=jnp.float32)
    # Phi models self.new_Phi: the [c, d] centroid matrix built in fit()
    Phi = jax.random.normal(k2, (100000, 16), dtype=jnp.float32)
    return {"X": X, "Phi": Phi}


def reference(X, Phi):
    # Faithful translation of kmeans.predict: argmin(torch.cdist(X, Phi), dim=1)
    # cdist (euclidean) via the expanded form to avoid a [Q, K, d] broadcast.
    x2 = jnp.sum(X * X, axis=1, keepdims=True)            # [Q, 1]
    p2 = jnp.sum(Phi * Phi, axis=1)[None, :]               # [1, K]
    d2 = x2 + p2 - 2.0 * (X @ Phi.T)                       # [Q, K]
    d2 = jnp.maximum(d2, 0.0)
    dist = jnp.sqrt(d2)
    y_pred = jnp.argmin(dist, axis=1)                      # [Q] int
    return y_pred

if __name__ == "__main__":
    import jax
    _d = setup_inputs()
    print(jax.jit(kernel)(*tuple(_d.values())))

</pallas_src>

<mosaic_0001>
module attributes {stable_mosaic.version = 14 : i64} {
  func.func @_scan_kernel(%arg0: i32, %arg1: memref<1024x16xf32, #tpu.memory_space<vmem>>, %arg2: memref<16x2048xf32, #tpu.memory_space<vmem>>, %arg3: memref<1x1024x1xf32, #tpu.memory_space<vmem>>) attributes {dimension_semantics = [#tpu.dimension_semantics<arbitrary>], iteration_bounds = array<i64: 49>, scalar_prefetch = 0 : i64, scratch_operands = 0 : i64, tpu.core_type = #tpu.core_type<tc>, window_params = [{pipeline_mode = #tpu.pipeline_mode<synchronous>, transform_indices = @transform_0, window_bounds = array<i64: 1024, 16>}, {transform_indices = @transform_1, window_bounds = array<i64: 16, 2048>}, {transform_indices = @transform_2, window_bounds = array<i64: 1, 1024, 1>}]} {
    %get3A = arith.constant 0 : index
    %get3A_0 = arith.constant 0 : index
    %get3A_1 = vector.load %arg1[%get3A, %get3A_0] : memref<1024x16xf32, #tpu.memory_space<vmem>>, vector<1024x16xf32>
    %get3A_2 = arith.constant 0 : index
    %get3A_3 = arith.constant 0 : index
    %get3A_4 = vector.load %arg2[%get3A_2, %get3A_3] : memref<16x2048xf32, #tpu.memory_space<vmem>>, vector<16x2048xf32>
    %dot_general3A = arith.constant dense<0.000000e+00> : vector<1024x2048xf32>
    %dot_general3A_5 = tpu.matmul %get3A_1, %get3A_4, %dot_general3A {dimension_numbers = #tpu.dot_dimension_numbers<[1], [0], [0], [1], [0, 0, 1, 1], [], []>, transpose_lhs_hint = false} : vector<1024x16xf32>, vector<16x2048xf32>, vector<1024x2048xf32> -> vector<1024x2048xf32>
    %mul3A = arith.mulf %get3A_1, %get3A_1 : vector<1024x16xf32>
    %reduce_sum3A = arith.constant dense<0.000000e+00> : vector<1024xf32>
    %reduce_sum3A_6 = vector.multi_reduction <add>, %mul3A, %reduce_sum3A [1] : vector<1024x16xf32> to vector<1024xf32>
    %broadcast_in_dim3A = vector.shape_cast %reduce_sum3A_6 : vector<1024xf32> to vector<1024x1xf32>
    %mul3A_7 = arith.mulf %get3A_4, %get3A_4 : vector<16x2048xf32>
    %reduce_sum3A_8 = arith.constant dense<0.000000e+00> : vector<2048xf32>
    %reduce_sum3A_9 = vector.multi_reduction <add>, %mul3A_7, %reduce_sum3A_8 [0] : vector<16x2048xf32> to vector<2048xf32>
    %broadcast_in_dim3A_10 = vector.shape_cast %reduce_sum3A_9 : vector<2048xf32> to vector<1x2048xf32>
    %add3A = vector.broadcast %broadcast_in_dim3A : vector<1024x1xf32> to vector<1024x2048xf32>
    %add3A_11 = vector.broadcast %broadcast_in_dim3A_10 : vector<1x2048xf32> to vector<1024x2048xf32>
    %add3A_12 = arith.addf %add3A, %add3A_11 : vector<1024x2048xf32>
    %mul3A_13 = arith.constant 2.000000e+00 : f32
    %mul3A_14 = vector.broadcast %mul3A_13 : f32 to vector<1024x2048xf32>
    %mul3A_15 = arith.mulf %mul3A_14, %dot_general3A_5 : vector<1024x2048xf32>
    %sub3A = arith.subf %add3A_12, %mul3A_15 : vector<1024x2048xf32>
    %reduce_min3A = arith.constant dense<0x7F800000> : vector<1024xf32>
    %reduce_min3A_16 = vector.multi_reduction <minimumf>, %sub3A, %reduce_min3A [1] : vector<1024x2048xf32> to vector<1024xf32>
    %broadcast_in_dim3A_17 = vector.shape_cast %reduce_min3A_16 : vector<1024xf32> to vector<1024x1xf32>
    %swap3A = arith.constant 0 : index
    %swap3A_18 = arith.constant 0 : index
    %swap3A_19 = arith.constant 0 : index
    %swap3A_20 = vector.load %arg3[%swap3A, %swap3A_18, %swap3A_19] : memref<1x1024x1xf32, #tpu.memory_space<vmem>>, vector<1x1024x1xf32>
    %swap3A_21 = vector.shape_cast %swap3A_20 : vector<1x1024x1xf32> to vector<1024x1xf32>
    %swap3A_22 = vector.shape_cast %broadcast_in_dim3A_17 : vector<1024x1xf32> to vector<1x1024x1xf32>
    tpu.vector_store %arg3[%swap3A, %swap3A_18, %swap3A_19], %swap3A_22 {strides = array<i32>} : memref<1x1024x1xf32, #tpu.memory_space<vmem>>, vector<1x1024x1xf32>,
    return
  }
  func.func @transform_0(%arg0: i32) -> (i32, i32) {
    %c0_i32 = arith.constant 0 : i32
    %c0_i32_0 = arith.constant 0 : i32
    %c0_i32_1 = arith.constant 0 : i32
    return %c0_i32, %c0_i32_0 : i32, i32
  }
  func.func @transform_1(%arg0: i32) -> (i32, i32) {
    %c0_i32 = arith.constant 0 : i32
    %c0_i32_0 = arith.constant 0 : i32
    return %c0_i32, %arg0 : i32, i32
  }
  func.func @transform_2(%arg0: i32) -> (i32, i32, i32) {
    %c0_i32 = arith.constant 0 : i32
    %c0_i32_0 = arith.constant 0 : i32
    %c0_i32_1 = arith.constant 0 : i32
    return %arg0, %c0_i32, %c0_i32_0 : i32, i32, i32
  }
}

module attributes {stable_mosaic.version = 14 : i64} {
  func.func @_rescore_kernel(%arg0: i32, %arg1: memref<1x64x16xf32, #tpu.memory_space<vmem>>, %arg2: memref<16x2048xf32, #tpu.memory_space<vmem>>, %arg3: memref<1x64x1xf32, #tpu.memory_space<vmem>>, %arg4: memref<1x64x1xf32, #tpu.memory_space<vmem>>) attributes {dimension_semantics = [#tpu.dimension_semantics<arbitrary>], iteration_bounds = array<i64: 49>, scalar_prefetch = 0 : i64, scratch_operands = 0 : i64, tpu.core_type = #tpu.core_type<tc>, window_params = [{transform_indices = @transform_0, window_bounds = array<i64: 1, 64, 16>}, {transform_indices = @transform_1, window_bounds = array<i64: 16, 2048>}, {transform_indices = @transform_2, window_bounds = array<i64: 1, 64, 1>}, {transform_indices = @transform_3, window_bounds = array<i64: 1, 64, 1>}]} {
    %get3A = arith.constant 0 : index
    %get3A_0 = arith.constant 0 : index
    %get3A_1 = arith.constant 0 : index
    %get3A_2 = vector.load %arg1[%get3A, %get3A_0, %get3A_1] : memref<1x64x16xf32, #tpu.memory_space<vmem>>, vector<1x64x16xf32>
    %get3A_3 = vector.shape_cast %get3A_2 : vector<1x64x16xf32> to vector<64x16xf32>
    %get3A_4 = arith.constant 0 : index
    %get3A_5 = arith.constant 0 : index
    %get3A_6 = arith.constant 0 : index
    %get3A_7 = vector.load %arg3[%get3A_4, %get3A_5, %get3A_6] : memref<1x64x1xf32, #tpu.memory_space<vmem>>, vector<1x64x1xf32>
    %get3A_8 = vector.shape_cast %get3A_7 : vector<1x64x1xf32> to vector<64x1xf32>
    %get3A_9 = arith.constant 0 : index
    %get3A_10 = arith.constant 0 : index
    %get3A_11 = vector.load %arg2[%get3A_9, %get3A_10] : memref<16x2048xf32, #tpu.memory_space<vmem>>, vector<16x2048xf32>
    %dot_general3A = arith.constant dense<0.000000e+00> : vector<64x2048xf32>
    %dot_general3A_12 = tpu.matmul %get3A_3, %get3A_11, %dot_general3A {dimension_numbers = #tpu.dot_dimension_numbers<[1], [0], [0], [1], [0, 0, 1, 1], [], []>, transpose_lhs_hint = false} : vector<64x16xf32>, vector<16x2048xf32>, vector<64x2048xf32> -> vector<64x2048xf32>
    %mul3A = arith.mulf %get3A_3, %get3A_3 : vector<64x16xf32>
    %reduce_sum3A = arith.constant dense<0.000000e+00> : vector<64xf32>
    %reduce_sum3A_13 = vector.multi_reduction <add>, %mul3A, %reduce_sum3A [1] : vector<64x16xf32> to vector<64xf32>
    %broadcast_in_dim3A = vector.shape_cast %reduce_sum3A_13 : vector<64xf32> to vector<64x1xf32>
    %mul3A_14 = arith.mulf %get3A_11, %get3A_11 : vector<16x2048xf32>
    %reduce_sum3A_15 = arith.constant dense<0.000000e+00> : vector<2048xf32>
    %reduce_sum3A_16 = vector.multi_reduction <add>, %mul3A_14, %reduce_sum3A_15 [0] : vector<16x2048xf32> to vector<2048xf32>
    %broadcast_in_dim3A_17 = vector.shape_cast %reduce_sum3A_16 : vector<2048xf32> to vector<1x2048xf32>
    %add3A = vector.broadcast %broadcast_in_dim3A : vector<64x1xf32> to vector<64x2048xf32>
    %add3A_18 = vector.broadcast %broadcast_in_dim3A_17 : vector<1x2048xf32> to vector<64x2048xf32>
    %add3A_19 = arith.addf %add3A, %add3A_18 : vector<64x2048xf32>
    %mul3A_20 = arith.constant 2.000000e+00 : f32
    %mul3A_21 = vector.broadcast %mul3A_20 : f32 to vector<64x2048xf32>
    %mul3A_22 = arith.mulf %mul3A_21, %dot_general3A_12 : vector<64x2048xf32>
    %sub3A = arith.subf %add3A_19, %mul3A_22 : vector<64x2048xf32>
    %iota3A = tpu.iota {dimensions = array<i32: 1>} : vector<64x2048xi32>
    %convert_element_type3A = arith.sitofp %iota3A : vector<64x2048xi32> to vector<64x2048xf32>
    %le3A = vector.broadcast %get3A_8 : vector<64x1xf32> to vector<64x2048xf32>
    %le3A_23 = arith.cmpf ole, %sub3A, %le3A : vector<64x2048xf32>
    %jit3A = arith.constant 0x4C000000 : f32
    %broadcast_in_dim3A_24 = vector.broadcast %jit3A : f32 to vector<64x2048xf32>
    %select_n3A = arith.select %le3A_23, %convert_element_type3A, %broadcast_in_dim3A_24 : vector<64x2048xi1>, vector<64x2048xf32>
    %reduce_min3A = arith.constant dense<0x7F800000> : vector<64xf32>
    %reduce_min3A_25 = vector.multi_reduction <minimumf>, %select_n3A, %reduce_min3A [1] : vector<64x2048xf32> to vector<64xf32>
    %broadcast_in_dim3A_26 = vector.shape_cast %reduce_min3A_25 : vector<64xf32> to vector<64x1xf32>
    %convert_element_type3A_27 = arith.sitofp %arg0 : i32 to f32
    %mul3A_28 = arith.constant 2.048000e+03 : f32
    %mul3A_29 = arith.mulf %convert_element_type3A_27, %mul3A_28 : f32
    %add3A_30 = vector.broadcast %mul3A_29 : f32 to vector<64x1xf32>
    %add3A_31 = arith.addf %broadcast_in_dim3A_26, %add3A_30 : vector<64x1xf32>
    %swap3A = arith.constant 0 : index
    %swap3A_32 = arith.constant 0 : index
    %swap3A_33 = arith.constant 0 : index
    %swap3A_34 = vector.load %arg4[%swap3A, %swap3A_32, %swap3A_33] : memref<1x64x1xf32, #tpu.memory_space<vmem>>, vector<1x64x1xf32>
    %swap3A_35 = vector.shape_cast %swap3A_34 : vector<1x64x1xf32> to vector<64x1xf32>
    %swap3A_36 = vector.shape_cast %add3A_31 : vector<64x1xf32> to vector<1x64x1xf32>
    tpu.vector_store %arg4[%swap3A, %swap3A_32, %swap3A_33], %swap3A_36 {strides = array<i32>} : memref<1x64x1xf32, #tpu.memory_space<vmem>>, vector<1x64x1xf32>,
    return
  }
  func.func @transform_0(%arg0: i32) -> (i32, i32, i32) {
    %c0_i32 = arith.constant 0 : i32
    %c0_i32_0 = arith.constant 0 : i32
    %c0_i32_1 = arith.constant 0 : i32
    return %arg0, %c0_i32, %c0_i32_0 : i32, i32, i32
  }
  func.func @transform_1(%arg0: i32) -> (i32, i32) {
    %c0_i32 = arith.constant 0 : i32
    %c0_i32_0 = arith.constant 0 : i32
    return %c0_i32, %arg0 : i32, i32
  }
  func.func @transform_2(%arg0: i32) -> (i32, i32, i32) {
    %c0_i32 = arith.constant 0 : i32
    %c0_i32_0 = arith.constant 0 : i32
    %c0_i32_1 = arith.constant 0 : i32
    return %arg0, %c0_i32, %c0_i32_0 : i32, i32, i32
  }
  func.func @transform_3(%arg0: i32) -> (i32, i32, i32) {
    %c0_i32 = arith.constant 0 : i32
    %c0_i32_0 = arith.constant 0 : i32
    %c0_i32_1 = arith.constant 0 : i32
    return %arg0, %c0_i32, %c0_i32_0 : i32, i32, i32
  }
}

module attributes {stable_mosaic.version = 14 : i64} {
  func.func @_sweep_kernel(%arg0: i32, %arg1: memref<1024x16xf32, #tpu.memory_space<vmem>>, %arg2: memref<16x2048xf32, #tpu.memory_space<vmem>>, %arg3: memref<1024x1xf32, #tpu.memory_space<vmem>>, %arg4: memref<1024x1xi32, #tpu.memory_space<vmem>>, %arg5: memref<1024x1xf32, #tpu.memory_space<vmem>>) attributes {dimension_semantics = [#tpu.dimension_semantics<arbitrary>], iteration_bounds = array<i64: 49>, scalar_prefetch = 0 : i64, scratch_operands = 1 : i64, tpu.core_type = #tpu.core_type<tc>, window_params = [{pipeline_mode = #tpu.pipeline_mode<synchronous>, transform_indices = @transform_0, window_bounds = array<i64: 1024, 16>}, {transform_indices = @transform_1, window_bounds = array<i64: 16, 2048>}, {pipeline_mode = #tpu.pipeline_mode<synchronous>, transform_indices = @transform_2, window_bounds = array<i64: 1024, 1>}, {pipeline_mode = #tpu.pipeline_mode<synchronous>, transform_indices = @transform_3, window_bounds = array<i64: 1024, 1>}]} {
    %get3A = arith.constant 0 : index
    %get3A_0 = arith.constant 0 : index
    %get3A_1 = vector.load %arg1[%get3A, %get3A_0] : memref<1024x16xf32, #tpu.memory_space<vmem>>, vector<1024x16xf32>
    %get3A_2 = arith.constant 0 : index
    %get3A_3 = arith.constant 0 : index
    %get3A_4 = vector.load %arg2[%get3A_2, %get3A_3] : memref<16x2048xf32, #tpu.memory_space<vmem>>, vector<16x2048xf32>
    %dot_general3A = arith.constant dense<0.000000e+00> : vector<1024x2048xf32>
    %dot_general3A_5 = tpu.matmul %get3A_1, %get3A_4, %dot_general3A {dimension_numbers = #tpu.dot_dimension_numbers<[1], [0], [0], [1], [0, 0, 1, 1], [], []>, transpose_lhs_hint = false} : vector<1024x16xf32>, vector<16x2048xf32>, vector<1024x2048xf32> -> vector<1024x2048xf32>
    %mul3A = arith.mulf %get3A_1, %get3A_1 : vector<1024x16xf32>
    %reduce_sum3A = arith.constant dense<0.000000e+00> : vector<1024xf32>
    %reduce_sum3A_6 = vector.multi_reduction <add>, %mul3A, %reduce_sum3A [1] : vector<1024x16xf32> to vector<1024xf32>
    %broadcast_in_dim3A = vector.shape_cast %reduce_sum3A_6 : vector<1024xf32> to vector<1024x1xf32>
    %mul3A_7 = arith.mulf %get3A_4, %get3A_4 : vector<16x2048xf32>
    %reduce_sum3A_8 = arith.constant dense<0.000000e+00> : vector<2048xf32>
    %reduce_sum3A_9 = vector.multi_reduction <add>, %mul3A_7, %reduce_sum3A_8 [0] : vector<16x2048xf32> to vector<2048xf32>
    %broadcast_in_dim3A_10 = vector.shape_cast %reduce_sum3A_9 : vector<2048xf32> to vector<1x2048xf32>
    %add3A = vector.broadcast %broadcast_in_dim3A : vector<1024x1xf32> to vector<1024x2048xf32>
    %add3A_11 = vector.broadcast %broadcast_in_dim3A_10 : vector<1x2048xf32> to vector<1024x2048xf32>
    %add3A_12 = arith.addf %add3A, %add3A_11 : vector<1024x2048xf32>
    %mul3A_13 = arith.constant 2.000000e+00 : f32
    %mul3A_14 = vector.broadcast %mul3A_13 : f32 to vector<1024x2048xf32>
    %mul3A_15 = arith.mulf %mul3A_14, %dot_general3A_5 : vector<1024x2048xf32>
    %sub3A = arith.subf %add3A_12, %mul3A_15 : vector<1024x2048xf32>
    %get3A_16 = arith.constant 0 : index
    %get3A_17 = arith.constant 0 : index
    %get3A_18 = vector.load %arg3[%get3A_16, %get3A_17] : memref<1024x1xf32, #tpu.memory_space<vmem>>, vector<1024x1xf32>
    %iota3A = tpu.iota {dimensions = array<i32: 1>} : vector<1024x2048xi32>
    %convert_element_type3A = arith.sitofp %iota3A : vector<1024x2048xi32> to vector<1024x2048xf32>
    %le3A = vector.broadcast %get3A_18 : vector<1024x1xf32> to vector<1024x2048xf32>
    %le3A_19 = arith.cmpf ole, %sub3A, %le3A : vector<1024x2048xf32>
    %jit3A = arith.constant 0x4C000000 : f32
    %broadcast_in_dim3A_20 = vector.broadcast %jit3A : f32 to vector<1024x2048xf32>
    %select_n3A = arith.select %le3A_19, %convert_element_type3A, %broadcast_in_dim3A_20 : vector<1024x2048xi1>, vector<1024x2048xf32>
    %reduce_min3A = arith.constant dense<0x7F800000> : vector<1024xf32>
    %reduce_min3A_21 = vector.multi_reduction <minimumf>, %select_n3A, %reduce_min3A [1] : vector<1024x2048xf32> to vector<1024xf32>
    %broadcast_in_dim3A_22 = vector.shape_cast %reduce_min3A_21 : vector<1024xf32> to vector<1024x1xf32>
    %convert_element_type3A_23 = arith.sitofp %arg0 : i32 to f32
    %mul3A_24 = arith.constant 2.048000e+03 : f32
    %mul3A_25 = arith.mulf %convert_element_type3A_23, %mul3A_24 : f32
    %add3A_26 = vector.broadcast %mul3A_25 : f32 to vector<1024x1xf32>
    %add3A_27 = arith.addf %broadcast_in_dim3A_22, %add3A_26 : vector<1024x1xf32>
    %eq3A = arith.constant 0 : i32
    %eq3A_28 = arith.cmpi eq, %arg0, %eq3A : i32
    %convert_element_type3A_29 = arith.extui %eq3A_28 : i1 to i32
    %cond3A = arith.constant 0 : i32
    %cond3A_30 = arith.cmpi ne, %convert_element_type3A_29, %cond3A : i32
    scf.if %cond3A_30 {
      %swap3A = arith.constant 0 : index
      %swap3A_40 = arith.constant 0 : index
      %swap3A_41 = vector.load %arg5[%swap3A, %swap3A_40] : memref<1024x1xf32, #tpu.memory_space<vmem>>, vector<1024x1xf32>
      tpu.vector_store %arg5[%swap3A, %swap3A_40], %add3A_27 {strides = array<i32>} : memref<1024x1xf32, #tpu.memory_space<vmem>>, vector<1024x1xf32>,
    } else {
    }
    %gt3A = arith.constant 0 : i32
    %gt3A_31 = arith.cmpi sgt, %arg0, %gt3A : i32
    %convert_element_type3A_32 = arith.extui %gt3A_31 : i1 to i32
    %cond3A_33 = arith.constant 0 : i32
    %cond3A_34 = arith.cmpi ne, %convert_element_type3A_32, %cond3A_33 : i32
    scf.if %cond3A_34 {
      %get3A_40 = arith.constant 0 : index
      %get3A_41 = arith.constant 0 : index
      %get3A_42 = vector.load %arg5[%get3A_40, %get3A_41] : memref<1024x1xf32, #tpu.memory_space<vmem>>, vector<1024x1xf32>
      %min3A = arith.minimumf %get3A_42, %add3A_27 : vector<1024x1xf32>
      %swap3A = arith.constant 0 : index
      %swap3A_43 = arith.constant 0 : index
      %swap3A_44 = vector.load %arg5[%swap3A, %swap3A_43] : memref<1024x1xf32, #tpu.memory_space<vmem>>, vector<1024x1xf32>
      tpu.vector_store %arg5[%swap3A, %swap3A_43], %min3A {strides = array<i32>} : memref<1024x1xf32, #tpu.memory_space<vmem>>, vector<1024x1xf32>,
    } else {
    }
    %eq3A_35 = arith.constant 48 : i32
    %eq3A_36 = arith.cmpi eq, %arg0, %eq3A_35 : i32
    %convert_element_type3A_37 = arith.extui %eq3A_36 : i1 to i32
    %cond3A_38 = arith.constant 0 : i32
    %cond3A_39 = arith.cmpi ne, %convert_element_type3A_37, %cond3A_38 : i32
    scf.if %cond3A_39 {
      %get3A_40 = arith.constant 0 : index
      %get3A_41 = arith.constant 0 : index
      %get3A_42 = vector.load %arg5[%get3A_40, %get3A_41] : memref<1024x1xf32, #tpu.memory_space<vmem>>, vector<1024x1xf32>
      %convert_element_type3A_43 = arith.fptosi %get3A_42 : vector<1024x1xf32> to vector<1024x1xi32>
      %swap3A = arith.constant 0 : index
      %swap3A_44 = arith.constant 0 : index
      %swap3A_45 = vector.load %arg4[%swap3A, %swap3A_44] : memref<1024x1xi32, #tpu.memory_space<vmem>>, vector<1024x1xi32>
      tpu.vector_store %arg4[%swap3A, %swap3A_44], %convert_element_type3A_43 {strides = array<i32>} : memref<1024x1xi32, #tpu.memory_space<vmem>>, vector<1024x1xi32>,
    } else {
    }
    return
  }
  func.func @transform_0(%arg0: i32) -> (i32, i32) {
    %c0_i32 = arith.constant 0 : i32
    %c0_i32_0 = arith.constant 0 : i32
    %c0_i32_1 = arith.constant 0 : i32
    return %c0_i32, %c0_i32_0 : i32, i32
  }
  func.func @transform_1(%arg0: i32) -> (i32, i32) {
    %c0_i32 = arith.constant 0 : i32
    %c0_i32_0 = arith.constant 0 : i32
    return %c0_i32, %arg0 : i32, i32
  }
  func.func @transform_2(%arg0: i32) -> (i32, i32) {
    %c0_i32 = arith.constant 0 : i32
    %c0_i32_0 = arith.constant 0 : i32
    %c0_i32_1 = arith.constant 0 : i32
    return %c0_i32, %c0_i32_0 : i32, i32
  }
  func.func @transform_3(%arg0: i32) -> (i32, i32) {
    %c0_i32 = arith.constant 0 : i32
    %c0_i32_0 = arith.constant 0 : i32
    %c0_i32_1 = arith.constant 0 : i32
    return %c0_i32, %c0_i32_0 : i32, i32
  }
}

</mosaic_0001>

<sc_bundles>
// kernel: scatter_offload_async_start
scs
__scs_entry_jumppad:
0x0: {  	(pc) =	sbr.rel $0x88, $3  }
0x1: {  	(tag) =	ssettag $0x0;
	lr =	simm.s32 $0x1  }
0x2: {  	[smem:$0x3F9F] =	sst lr;
	_ =	strace $0xD0000000  }
0x3: {  	_ = 	snop  }
0x4: {  	_ = 	snop  }
0x5: {  	_ = 	snop  }
0x6: {  	_ = 	snop  }
0x7: {  	_ = 	snop  }
__scs_overlays_trampoline_lowered:
0x8: {  	[smem:$0x3FAE] =	sst s0  }
0x9: {  	[smem:$0x3FAF] =	sst s1  }
0xa: {  	[smem:$0x3FB0] =	sst s2  }
0xb: {  	[smem:$0x3FB1] =	sst s3  }
0xc: {  	[smem:$0x3FB2] =	sst s4  }
0xd: {  	[smem:$0x3FB3] =	sst s5  }
0xe: {  	[smem:$0x3FB4] =	sst s6  }
0xf: {  	[smem:$0x3FB5] =	sst s7  }
0x10: {  	[smem:$0x3FB6] =	sst s8  }
0x11: {  	[smem:$0x3FB7] =	sst s9;
	s0 =	simm.s32 @!p0 $0x0  }
0x12: {  	s1 =	sld [smem:$0x3F9D];
	s0 =	simm.s32 @p0 $0x1  }
0x13: {  	[smem:$0x3FB8] =	sst s0;
	s0 =	simm.s32 @!p1 $0x0  }
0x14: {  	s2 =	sld [smem:$0x3F9C];
	s0 =	simm.s32 @p1 $0x1  }
0x15: {  	[smem:$0x3FB9] =	sst s0;
	s0 =	simm.s32 @!p2 $0x0  }
0x16: {  	s3 =	sld [smem:$0x3FDB];
	s0 =	simm.s32 @p2 $0x1  }
0x17: {  	s4 =	simm.s32 $0x1BF5;
	[smem:$0x3FBB] =	sst s0  }
0x18: {  	s0 =	sld [smem:$0x3F9E];
	_ =	swait.ge [sflag:s4], $0x0  }
0x19: {  	s7 =	sld [smem:$0x3F9F]  }
0x1a: {  	s8 =	sadd.s32 $0xFFFFE003, lr  }
0x1b: {  	s9 =	sadd.s32 $0xFFFFFEF7, lr;
	s5 =	simm.s32 $0xFFFFFFFF;
	p2 =	slt.u32 s8, $0xFFFFF086  }
0x1c: {  	p1 =	slt.u32 s9, $0xF7A;
	s5 =	simm.s32 @!p2 $0x0  }
0x1d: {  	s5 =	simm.s32 @p1 $0x1;
	p0 =	seq.s32 s7, s2  }
0x1e: {  	s7 =	smul.u32 @!p0 $0xF7A, s2;
	p2 =	seq.s32 @!p0 s5, $0x0  }
0x1f: {  	s9 =	smul.u32 $0xF7A, s1;
	s8 =	simm.s32 @!p0 $0x1BF5;
	p2 =	por !p2, p0  }
0x20: {  	[sflag:s8] =	ssyncset.s32 @!p0 $0xFFFFF086;
	s6 =	sadd.s32 @!p0 s3, s7;
	s7 =	simm.s32 @!p0 $0x108  }
0x21: {  	s3 =	sadd.s32 s3, s9;
	s6 =	sadd.s32 @!p0 $0x88, s6;
	s7 =	simm.s32 @p2 $0x1082  }
0x22: {  	[simem:s7], [sflag:s8] =	dma.local @!p0 [hbm:s6], $0xF7A  }
0x23: {  	s9 =	sor.u32 $0xD0000000, s2;
	s6 =	simm.s32 $0x108;
	_ =	swait.ge @!p0 [sflag:s8], $0x0  }
0x24: {  	s3 =	sadd.s32 $0x88, s3;
	s6 =	simm.s32 @!p1 $0x1082;
	[sflag:s4] =	ssyncset.s32 $0xFFFFF086  }
0x25: {  	[simem:s6], [sflag:s4] =	dma.local [hbm:s3], $0xF7A  }
0x26: {  	[smem:$0x3F9F] =	sst s1;
	(tag) =	ssettag s2;
	_ =	strace s9  }
0x27: {  	s1 =	sld [smem:$0x3FAF]  }
0x28: {  	s2 =	sld [smem:$0x3FB0]  }
0x29: {  	s4 =	sld [smem:$0x3FB2]  }
0x2a: {  	p0 =	seq.s32 s5, $0x0;
	s5 =	sld [smem:$0x3FB3]  }
0x2b: {  	s6 =	sld [smem:$0x3FB4]  }
0x2c: {  	s7 =	sld [smem:$0x3FB5]  }
0x2d: {  	s3 =	simm.s32 $0x108;
	s8 =	sld [smem:$0x3FB6]  }
0x2e: {  	s3 =	simm.s32 @!p0 $0x1082;
	s9 =	sld [smem:$0x3FB7]  }
0x2f: {  	lr =	sadd.s32 s0, s3;
	s0 =	sld [smem:$0x3FAE]  }
0x30: {  	s3 =	sld [smem:$0x3FB1]  }
0x31: {  	[smem:$0x3FBA] =	sst s10  }
0x32: {  	s10 =	sld [smem:$0x3FB8];
	_ =	sdelay $0x3  }
0x33: {  	p0 =	seq.s32 s10, $0x1;
	s10 =	sld [smem:$0x3FBA];
	_ =	sdelay $0x3  }
0x34: {  	[smem:$0x3FBA] =	sst s10  }
0x35: {  	s10 =	sld [smem:$0x3FB9];
	_ =	sdelay $0x3  }
0x36: {  	p1 =	seq.s32 s10, $0x1;
	s10 =	sld [smem:$0x3FBA];
	_ =	sdelay $0x3  }
0x37: {  	[smem:$0x3FBA] =	sst s10  }
0x38: {  	s10 =	sld [smem:$0x3FBB]  }
0x39: {  	_ = 	snop;
	(pc) =	sbr.ind lr, $3  }
0x3a: {  	_ = 	snop  }
0x3b: {  	_ = 	snop  }
0x3c: {  	p2 =	seq.s32 s10, $0x1;
	s10 =	sld [smem:$0x3FBA]  }
0x3d: {  	_ =	shalt  }
0x3e: {  	_ =	shalt  }
0x3f: {  	_ =	shalt  }
0x40: {  	_ =	shalt  }
0x41: {  	_ =	shalt  }
0x42: {  	_ =	shalt  }
0x43: {  	_ =	shalt  }
0x44: {  	_ =	shalt  }
0x45: {  	_ =	shalt  }
0x46: {  	_ =	shalt  }
0x47: {  	_ =	shalt  }
0x48: {  	_ =	shalt  }
0x49: {  	_ =	shalt  }
0x4a: {  	_ =	shalt  }
0x4b: {  	_ =	shalt  }
0x4c: {  	_ =	shalt  }
0x4d: {  	_ =	shalt  }
0x4e: {  	_ =	shalt  }
0x4f: {  	_ =	shalt  }
0x50: {  	_ =	shalt  }
0x51: {  	_ =	shalt  }
0x52: {  	_ =	shalt  }
0x53: {  	_ =	shalt  }
0x54: {  	_ =	shalt  }
0x55: {  	_ =	shalt  }
0x56: {  	_ =	shalt  }
0x57: {  	_ =	shalt  }
0x58: {  	_ =	shalt  }
0x59: {  	_ =	shalt  }
0x5a: {  	_ =	shalt  }
0x5b: {  	_ =	shalt  }
0x5c: {  	_ =	shalt  }
0x5d: {  	_ =	shalt  }
0x5e: {  	_ =	shalt  }
0x5f: {  	_ =	shalt  }
0x60: {  	_ =	shalt  }
0x61: {  	_ =	shalt  }
0x62: {  	_ =	shalt  }
0x63: {  	_ =	shalt  }
0x64: {  	_ =	shalt  }
0x65: {  	_ =	shalt  }
0x66: {  	_ =	shalt  }
0x67: {  	_ =	shalt  }
0x68: {  	_ =	shalt  }
0x69: {  	_ =	shalt  }
0x6a: {  	_ =	shalt  }
0x6b: {  	_ =	shalt  }
0x6c: {  	_ =	shalt  }
0x6d: {  	_ =	shalt  }
0x6e: {  	_ =	shalt  }
0x6f: {  	_ =	shalt  }
0x70: {  	_ =	shalt  }
0x71: {  	_ =	shalt  }
0x72: {  	_ =	shalt  }
0x73: {  	_ =	shalt  }
0x74: {  	_ =	shalt  }
0x75: {  	_ =	shalt  }
0x76: {  	_ =	shalt  }
0x77: {  	_ =	shalt  }
0x78: {  	_ =	shalt  }
0x79: {  	_ =	shalt  }
0x7a: {  	_ =	shalt  }
0x7b: {  	_ =	shalt  }
0x7c: {  	_ =	shalt  }
0x7d: {  	_ =	shalt  }
0x7e: {  	_ =	shalt  }
0x7f: {  	_ =	shalt  }
0x80: {  	_ =	shalt  }
0x81: {  	_ =	shalt  }
0x82: {  	_ =	shalt  }
0x83: {  	_ =	shalt  }
0x84: {  	_ =	shalt  }
0x85: {  	_ =	shalt  }
0x86: {  	_ =	shalt  }
0x87: {  	_ =	shalt  }
.Lfunc_end0:
.L_simem_size_0:
called_computation_lowered:
.L_overlay_start_0:
0x88: {  	s0 =	sld [smem:$0x3FD9]  }
0x89: {  	s1 =	sld [smem:$0x3FFE];
	_ =	sdelay $0x3  }
0x8a: {  	s0 =	sadd.s32 s1, s0  }
0x8b: {  	[smem:$0x3FC6] =	sst s0  }
0x8c: {  	_ = 	snop  }
0x8d: {  	(tm) =	ssettm $0x1  }
0x8e: {  	s15 =	sld [smem:$0x3FFB];
	_ =	sdelay $0x3  }
0x8f: {  	_ =	strace s15  }
0x90: {  	s0 =	sld [smem:$0x3FFC];
	_ =	sdelay $0x3  }
0x91: {  	_ =	strace s0  }
0x92: {  	s0 =	sld [smem:$0x3FFD];
	_ =	sdelay $0x3  }
0x93: {  	_ =	strace s0  }
0x94: {  	_ =	strace $0x8FFFFFFF  }
0x95: {  	s16 =	sld [smem:$0x3FDB];
	_ =	sdelay $0x1  }
0x96: {  	s17 =	simm.s32 $_scs_section_size  }
0x97: {  	s2 =	simm.s32 $_size__tile_overlayer_lowered;
	s3 =	simm.s32 $_tile_overlayer_lowered  }
0x98: {  	s20 =	simm.s32 $0x1BFF;
	s19 =	sshll.u32 s3, $0x1;
	s0 =	sadd.s32 s17, s16  }
0x99: {  	s4 =	simm.s32 $0x0;
	s18 =	sshll.u32 s2, $0x1;
	s2 =	sadd.s32 s19, s0  }
0x9a: {  	[timem:s4], [sflag:s20] =	dma.local [hbm:s2], s18  }
0x9b: {  	_ =	swait.ge [sflag:s20], s18  }
0x9c: {  	s1 =	ssub.s32 $0x0, s18;
	[sflag:s20] =	ssyncset.done $0x0  }
0x9d: {  	[sflag:s20] =	ssyncadd.s32 s1;
	_ =	sdelay $0x1  }
0x9e: {  	s21 =	simm.s32 $0x1B8B  }
0x9f: {  	_ =	swait.ge [sflag:s21], $0x1  }
0xa0: {  	[sflag:s21] =	ssyncset.done $0x0  }
0xa1: {  	s23 =	simm.s32 $0x1B8E;
	s22 =	sld [smem:$0x3FFE];
	[sflag:s21] =	ssyncadd.s32 $0xFFFFFFFF  }
0xa2: {  	s24 =	simm.s32 $execute0_lowered;
	[smem:$0x3FD2] =	sst s23  }
0xa3: {  	s2 =	sshll.u32 s24, $0x1;
	_ =	strace $0x80000046;
	[dreg:$0x1] =	wrdreg $0xFFFFFFFF  }
0xa4: {  	s25 =	simm.s32 $_size_execute0_lowered;
	s0 =	sadd.s32 s0, s2;
	[dreg:$0x0] =	wrdreg $0x0  }
0xa5: {  	s2 =	sshll.u32 s25, $0x1;
	[dreg:$0x2] =	wrdreg s0  }
0xa6: {  	[dreg:$0x3] =	wrdreg s2  }
0xa7: {  	[dreg:$0x4] =	wrdreg $0xC0  }
0xa8: {  	_ =	task [dreg:s4], $0x5FFFF  }
0xa9: {  	[dreg:$0x1] =	wrdreg $0xFFFFFFFF  }
0xaa: {  	[dreg:$0x0] =	wrdreg $0x60  }
0xab: {  	[dreg:$0x2] =	wrdreg s22  }
0xac: {  	[dreg:$0x3] =	wrdreg $0x9  }
0xad: {  	_ =	task.clear_ibuf [dreg:s4], $0x4FFFF;
	_ =	strace $0x90000046  }
0xae: {  	s26 =	simm.s32 $0x9;
	_ =	strace $0x80000048  }
0xaf: {  	_ =	swait.ge [sflag:s26], $0x1  }
0xb0: {  	[sflag:s26] =	ssyncadd.s32 $0xFFFFFFFF  }
0xb1: {  	_ =	strace $0x90000048  }
0xb2: {  	_ =	sfence  }
0xb3: {  	s28 =	sld [smem:$0x0];
	_ =	sdelay $0x1  }
0xb4: {  	s29 =	srdreg.scid  }
0xb5: {  	s30 =	sshll.u32 s29, $0xD;
	s31 =	sshrl.u32 s29, $0x2  }
0xb6: {  	s1 =	sand.u32 $0x1, s29;
	s2 =	sand.u32 $0x4000, s30;
	s0 =	sadd.s32 s31, s28  }
0xb7: {  	s1 =	sor.u32 s2, s1;
	s0 =	sshll.u32 s0, $0x11  }
0xb8: {  	s0 =	sor.u32 s0, s1  }
0xb9: {  	s0 =	sadd.s32 $0x8F2B, s0  }
0xba: {  	[sflag:s0] =	ssyncadd.remote.s32 $0x1  }
0xbb: {  	_ =	sfence.sel $0xFFFF  }
0xbc: {  	[dreg:$0x0] =	wrdreg $0xFFFFFFFF;
	(pc) =	sbr.abs _section_cstart, $3  }
0xbd: {  	[dreg:$0x1] =	wrdreg $0xFFFFFFFF  }
0xbe: {  	_ =	task.clear_ibuf [dreg:s4], $0x2FFFF;
	_ =	strace $0x9FFFFFFF  }
0xbf: {  	(tm) =	ssettm $0x7FFFFFFF  }
tec
execute0_lowered:
.L_overlay_start_1:
0x0: {  	(tag) =	ssettag $0x1  }
0x1: {  	s2 =	stileid.u32  }
0x2: {  	s1 =	smin.u32 s2, $0xC  }
0x3: {  	s0 =	rddreg [dreg:$0x0];
	s1 =	sadd.s32 s2, s1  }
0x4: {  	p0 =	slt.u32 s2, $0xC;
	s3 =	smul.u32 $0x70, s1;
	s1 =	simm.s32 $0xE0  }
0x5: {  	_ =	strace $0x80000047;
	s9 =	simm.s32 $0x1;
	s1 =	simm.s32 @!p0 $0x70  }
0x6: {  	v1 =	vimm.s32 $0xFFFFFFFF;
	[sflag:s9] =	ssyncpa.u1 $0x0;
	s1 =	sadd.s32 s1, s3  }
0x7: {  	[tilespmem:$0x10] =	vst v1;
	s4 =	smin.u32 s1, $0xC40  }
0x8: {  	v0 =	vimm.s32 $0x7FFFFFFF;
	[tilespmem:$0x20] =	vst v1;
	s8 =	ssub.s32 s4, s3  }
0x9: {  	[tilespmem:$0x30] =	vst v0;
	p0 =	sgt.s32 s8, $0x0  }
0xa: {  	[tilespmem:$0x40] =	vst v0;
	s8 =	simm.s32 @!p0 $0x0  }
0xb: {  	[tilespmem:$0x50] =	vst v0;
	s26 =	sand.u32 $0xFFF0, s8  }
0xc: {  	s29 =	simm.s32 $0x2;
	s7 =	simm.s32 $0x7;
	[tilespmem:$0x60] =	vst v1;
	s1 =	sshrl.u32 s26, $0x4  }
0xd: {  	s30 =	simm.s32 $0x9;
	s28 =	simm.s32 $0xFFFFFFFF;
	[tilespmem:$0x70] =	vst v1;
	s1 =	smul.u32 $0x2493, s1  }
0xe: {  	s17 =	simm.s32 $0xFFFFFFFE;
	s18 =	simm.s32 $0x0;
	s19 =	simm.s32 $0xF;
	[tilespmem:$0x80] =	vst v1  }
0xf: {  	s21 =	simm.s32 $0x0;
	s22 =	simm.s32 $0x0;
	v1 =	vimm.s32 $0x0;
	[tilespmem:$0xB0] =	vst v0;
	s10 =	sshrl.u32 s1, $0x10  }
0x10: {  	s23 =	simm.s32 $0x0;
	s5 =	sadd.s32 $0x200, s0;
	[tilespmem:$0x90] =	vst v1;
	s11 =	smul.u32 $0x70, s10  }
0x11: {  	s6 =	sadd.s32 $0x400, s0;
	s13 =	sshllo.u32 s2, $0x1;
	[tilespmem:$0xA0] =	vst v1;
	[sflag:s29] =	ssyncpa.u1 $0x0  }
0x12: {  	[sflag:s7] =	ssyncpa.u1 $0x0;
	s24 =	smov.u32 s3;
	p0 =	sne.s32 s8, s11  }
.Ltmp0:
0x13: {  	s1 =	sadd.s32 $0x600, s0;
	s9 =	simm.s32 @!p0 $0x0;
	(pc) =	sbr.rel .LBB2_1-.Ltmp0, $4  }
0x14: {  	s0 =	simm.s32 $0x0;
	s8 =	simm.s32 $0x8;
	s9 =	sadd.s32 s10, s9  }
0x15: {  	[sflag:s8] =	ssyncpa.u1 $0x0;
	s10 =	sshll.u32 s2, $0x1;
	s31 =	smul.u32 $0x1C0, s9  }
0x16: {  	vm0 =	vmmov $0xffff;
	v2 =	vlaneseq.u32;
	[sflag:s30] =	ssyncpa.u1 $0x0;
	s11 =	sadd.s32 $0x2, s9;
	s12 =	sor.u32 $0x81, s10  }
0x17: {  	vm1 =	vmxor vm1, vm1;
	vm2 =	vmmov $0x1;
	vm3 =	vcmask $0x3F3C;
	s14 =	sor.u32 $0x80, s10;
	s15 =	sadd.s32 $0x540, s31;
	s16 =	sadd.s32 $0x1C0, s31  }
.LBB2_5:
0x18: {  	p0 =	slt.u32 s25, $0x3  }
0x19: {  	s0 =	simm.s32 @!p0 $0x2  }
0x1a: {  	_ =	swait.ge @!p0 [sflag:s0], $0x70  }
0x1b: {  	[sflag:s0] =	ssyncset.done @!p0 $0x0  }
0x1c: {  	[sflag:s0] =	ssyncadd.s32 @!p0 $0xFFFFFF90;
	s0 =	simm.s32 @!p0 $0x9  }
0x1d: {  	_ =	swait.ge @!p0 [sflag:s0], $0x10  }
0x1e: {  	s22 =	sadd.s32 $0x1C0, s22;
	[sflag:s0] =	ssyncset.done @!p0 $0x0  }
0x1f: {  	[sflag:s0] =	ssyncadd.s32 @!p0 $0xFFFFFFF0;
	p0 =	sne.s32 s15, s22  }
.Ltmp1:
0x20: {  	_ = 	snop;
	(pc) =	sbr.rel @!p0 .LBB2_6-.Ltmp1, $4  }
0x21: {  	s2 =	sadd.s32 $0x70, s24  }
0x22: {  	s20 =	smov.u32 s3;
	s23 =	sadd.s32 $0x1, s23;
	p1 =	slt.s32 s2, s4  }
0x23: {  	s17 =	sadd.s32 $0x1, s17;
	s21 =	sadd.s32 $0x10, s21;
	s20 =	smov.u32 @p1 s2  }
0x24: {  	s28 =	smov.u32 s25;
	s0 =	smov.u32 s24;
	s24 =	smov.u32 s20  }
.LBB2_1:
0x25: {  	s25 =	smulhi.u32 $0xAAAAAAAB, s23;
	_ =	sdelay $0x1  }
0x26: {  	s25 =	sshrl.u32 s25, $0x1  }
0x27: {  	s26 =	smul.u32 $0xFFFFFAC0, s25  }
0x28: {  	s25 =	sadd.s32 $0x1, s28  }
0x29: {  	p0 =	sge.u32 s25, s9;
	s26 =	sshra.s32 s26, $0x2  }
0x2a: {  	s29 =	sshrl.u32 @!p0 s24, $0x3;
	s30 =	sshra.s32 @!p0 s22, $0x2;
	s26 =	sadd.s32 $0x100, s26  }
0x2b: {  	s29 =	sadd.s32 @!p0 s5, s29;
	s26 =	sadd.s32 @!p0 s30, s26;
	s30 =	sand.u32 @!p0 $0x7, s24  }
0x2c: {  	[tilespmem:s26], [sflag:$0x7] =	stream.linear.gather @!p0 [hbm4b:s29+s30], $0x70, $0x38;
	[tilespmem:$0x510] =	vst v63  }
0x2d: {  	p0 =	sge.u32 s28, s9  }
.Ltmp2:
0x2e: {  	_ = 	snop;
	(pc) =	sbr.rel @p0 .LBB2_3-.Ltmp2, $1  }
0x2f: {  	_ =	sdelay $0x3  }
0x30: {  	s26 =	smulhi.u32 $0xAAAAAAAB, s28;
	_ =	sdelay $0x1  }
0x31: {  	s26 =	sshrl.u32 s26, $0x1  }
0x32: {  	s26 =	smul.u32 $0xFFFFFAC0, s26;
	_ =	sdelay $0x1  }
0x33: {  	s26 =	sshra.s32 s26, $0x2  }
0x34: {  	_ =	swait.ge [sflag:s7], $0x70;
	s29 =	sshra.s32 s22, $0x2;
	s26 =	sadd.s32 $0x100, s26  }
0x35: {  	[sflag:s7] =	ssyncset.done $0x0;
	s26 =	sadd.s32 s29, s26  }
0x36: {  	[sflag:s7] =	ssyncadd.s32 $0xFFFFFF90;
	(ifvalue) =	ssetifvalue $0xFFFFFFFF;
	v3 =	vld.msk [tilespmem:s26+$0xFFFFFF90 ss:$0x1], $0xffff;
	_ =	sdelay $0x2  }
0x37: {  	p0 =	sne.s32 s22, $0x1C0  }
0x38: {  	v4 =	vimm.s32 @!p0 $0x0  }
0x39: {  	v4 =	vperm.xlane @!p0 v3, v4  }
0x3a: {  	vm4 =	vlt.u32 v3, $0x800  }
0x3b: {  	s20 =	sand.u32 $0x10, s21;
	v3 =	vnsel vm4, $0xFFFFFFFE, v3;
	vm4 =	vlt.u32 @!p0 v4, $0x800  }
0x3c: {  	[tilespmem:s20+$0x60] =	vst v3;
	v3 =	vnsel @!p0 vm4, $0xFFFFFFFE, v4  }
0x3d: {  	[tilespmem:$0x80] =	vst @!p0 v3  }
0x3e: {  	v3 =	vld.msk [tilespmem:s26+$0xFFFFFFF0 ss:$0x1], $0xffff;
	_ =	sdelay $0x4  }
0x3f: {  	(xrf1) =	vunique.msk.u32 $0xffff, v3;
	_ =	sdelay $0xd  }
0x40: {  	v55, _, _ =	vpop (xrf1)  }
0x41: {  	vm4 =	vlt.u32 v3, $0x800;
	vm5 =	veq.s32 v55, v2  }
0x42: {  	vm5 =	vmand vm4, vm5  }
0x43: {  	v56 =	vnsel vm5, $0xFFFFFFFF, v3  }
0x44: {  	s30 =	sand.u32 $0x1, s28  }
0x45: {  	s28 =	simm.s32 $0x70;
	p0 =	seq.s32 s30, $0x1  }
0x46: {  	s28 =	simm.s32 @!p0 $0x0  }
0x47: {  	s31 =	sadd.s32 $0x2B0, s28;
	(ifvalue) =	ssetifvalue $0xFFFFFFFF  }
0x48: {  	v4 =	vnsel vm4, $0xFFFFFFFE, v56;
	[tilespmem:s31], [sflag:$0x8] =	stream.indirect_vreg.gather [hbm4b:s1+s18], $0x1, v56, vm0, $0x4038;
	[tilespmem:$0x510] =	vst v63  }
0x49: {  	[tilespmem:s26+$0xFFFFFFF0] =	vst v4  }
0x4a: {  	v4 =	vld.msk [tilespmem:s26+$0xFFFFFFE0 ss:$0x1], $0xffff;
	_ =	sdelay $0x4  }
0x4b: {  	(xrf1) =	vunique.msk.u32 $0xffff, v4;
	_ =	sdelay $0xc  }
0x4c: {  	v3 =	vperm.xlane v3, v1  }
0x4d: {  	v5, _, _ =	vpop (xrf1)  }
0x4e: {  	vm5 =	vne.s32 v4, v3;
	vm4 =	veq.s32 v5, v2  }
0x4f: {  	vm6 =	vlt.u32 v4, $0x800;
	vm4 =	vmand vm5, vm4  }
0x50: {  	vm4 =	vmand vm6, vm4  }
0x51: {  	v3 =	vnsel vm4, $0xFFFFFFFF, v4;
	_ =	sdelay $0x3  }
0x52: {  	s2 =	sadd.s32 $0x2A0, s28;
	(ifvalue) =	ssetifvalue $0xFFFFFFFF  }
0x53: {  	[tilespmem:s2], [sflag:$0x8] =	stream.indirect_vreg.gather [hbm4b:s1+s18], $0x1, v3, vm0, $0x4038;
	v3 =	vnsel vm6, $0xFFFFFFFE, v3;
	[tilespmem:$0x510] =	vst v63  }
0x54: {  	[tilespmem:s26+$0xFFFFFFE0] =	vst v3  }
0x55: {  	v3 =	vld.msk [tilespmem:s26+$0xFFFFFFD0 ss:$0x1], $0xffff;
	_ =	sdelay $0x4  }
0x56: {  	(xrf1) =	vunique.msk.u32 $0xffff, v3;
	_ =	sdelay $0xc  }
0x57: {  	v4 =	vperm.xlane v4, v1  }
0x58: {  	v57, _, _ =	vpop (xrf1)  }
0x59: {  	vm5 =	vne.s32 v3, v4;
	vm4 =	veq.s32 v57, v2  }
0x5a: {  	vm11 =	vlt.u32 v3, $0x800;
	vm4 =	vmand vm5, vm4  }
0x5b: {  	vm4 =	vmand vm11, vm4  }
0x5c: {  	v58 =	vnsel vm4, $0xFFFFFFFF, v3;
	_ =	sdelay $0x3  }
0x5d: {  	s20 =	sadd.s32 $0x290, s28;
	(ifvalue) =	ssetifvalue $0xFFFFFFFF  }
0x5e: {  	v4 =	vnsel vm11, $0xFFFFFFFE, v58;
	[tilespmem:s20], [sflag:$0x8] =	stream.indirect_vreg.gather [hbm4b:s1+s18], $0x1, v58, vm0, $0x4038;
	[tilespmem:$0x510] =	vst v63  }
0x5f: {  	[tilespmem:s26+$0xFFFFFFD0] =	vst v4  }
0x60: {  	v4 =	vld.msk [tilespmem:s26+$0xFFFFFFC0 ss:$0x1], $0xffff;
	_ =	sdelay $0x4  }
0x61: {  	(xrf1) =	vunique.msk.u32 $0xffff, v4;
	_ =	sdelay $0xc  }
0x62: {  	v3 =	vperm.xlane v3, v1  }
0x63: {  	v59, _, _ =	vpop (xrf1)  }
0x64: {  	vm5 =	vne.s32 v4, v3;
	vm4 =	veq.s32 v59, v2  }
0x65: {  	vm12 =	vlt.u32 v4, $0x800;
	vm4 =	vmand vm5, vm4  }
0x66: {  	vm4 =	vmand vm12, vm4  }
0x67: {  	v3 =	vnsel vm4, $0xFFFFFFFF, v4;
	_ =	sdelay $0x3  }
0x68: {  	s30 =	sor.u32 $0x280, s28;
	(ifvalue) =	ssetifvalue $0xFFFFFFFF  }
0x69: {  	[tilespmem:s30], [sflag:$0x8] =	stream.indirect_vreg.gather [hbm4b:s1+s18], $0x1, v3, vm0, $0x4038;
	v3 =	vnsel vm12, $0xFFFFFFFE, v3;
	[tilespmem:$0x510] =	vst v63  }
0x6a: {  	[tilespmem:s26+$0xFFFFFFC0] =	vst v3  }
0x6b: {  	v3 =	vld.msk [tilespmem:s26+$0xFFFFFFB0 ss:$0x1], $0xffff;
	_ =	sdelay $0x4  }
0x6c: {  	(xrf1) =	vunique.msk.u32 $0xffff, v3;
	_ =	sdelay $0xc  }
0x6d: {  	v4 =	vperm.xlane v4, v1  }
0x6e: {  	v60, _, _ =	vpop (xrf1)  }
0x6f: {  	vm5 =	vne.s32 v3, v4;
	vm4 =	veq.s32 v60, v2  }
0x70: {  	vm13 =	vlt.u32 v3, $0x800;
	vm4 =	vmand vm5, vm4  }
0x71: {  	vm4 =	vmand vm13, vm4  }
0x72: {  	v61 =	vnsel vm4, $0xFFFFFFFF, v3;
	_ =	sdelay $0x3  }
0x73: {  	s31 =	sadd.s32 $0x270, s28;
	(ifvalue) =	ssetifvalue $0xFFFFFFFF  }
0x74: {  	v4 =	vnsel vm13, $0xFFFFFFFE, v61;
	[tilespmem:s31], [sflag:$0x8] =	stream.indirect_vreg.gather [hbm4b:s1+s18], $0x1, v61, vm0, $0x4038;
	[tilespmem:$0x510] =	vst v63  }
0x75: {  	[tilespmem:s26+$0xFFFFFFB0] =	vst v4  }
0x76: {  	v4 =	vld.msk [tilespmem:s26+$0xFFFFFFA0 ss:$0x1], $0xffff;
	_ =	sdelay $0x4  }
0x77: {  	(xrf1) =	vunique.msk.u32 $0xffff, v4;
	_ =	sdelay $0xc  }
0x78: {  	v3 =	vperm.xlane v3, v1  }
0x79: {  	v62, _, _ =	vpop (xrf1)  }
0x7a: {  	vm5 =	vne.s32 v4, v3;
	vm4 =	veq.s32 v62, v2  }
0x7b: {  	vm14 =	vlt.u32 v4, $0x800;
	vm4 =	vmand vm5, vm4  }
0x7c: {  	vm4 =	vmand vm14, vm4  }
0x7d: {  	v3 =	vnsel vm4, $0xFFFFFFFF, v4;
	_ =	sdelay $0x3  }
0x7e: {  	s2 =	sadd.s32 $0x260, s28;
	(ifvalue) =	ssetifvalue $0xFFFFFFFF  }
0x7f: {  	[tilespmem:s2], [sflag:$0x8] =	stream.indirect_vreg.gather [hbm4b:s1+s18], $0x1, v3, vm0, $0x4038;
	v3 =	vnsel vm14, $0xFFFFFFFE, v3;
	[tilespmem:$0x510] =	vst v63  }
0x80: {  	s20 =	sadd.s32 $0xFFFFFF90, s26;
	[tilespmem:s26+$0xFFFFFFA0] =	vst v3  }
0x81: {  	v3 =	vld.msk [tilespmem:s20+$0x0 ss:$0x1], $0xffff;
	_ =	sdelay $0x4  }
0x82: {  	(xrf1) =	vunique.msk.u32 $0xffff, v3;
	_ =	sdelay $0xc  }
0x83: {  	v4 =	vperm.xlane v4, v1  }
0x84: {  	v63, _, _ =	vpop (xrf1)  }
0x85: {  	vm5 =	vne.s32 v3, v4;
	vm4 =	veq.s32 v63, v2  }
0x86: {  	vm15 =	vlt.u32 v3, $0x800;
	vm4 =	vmand vm5, vm4  }
0x87: {  	vm4 =	vmand vm15, vm4  }
0x88: {  	v3 =	vnsel vm4, $0xFFFFFFFF, v3;
	_ =	sdelay $0x3  }
0x89: {  	s0 =	sshrl.u32 s0, $0x3;
	s30 =	sadd.s32 $0x250, s28;
	(ifvalue) =	ssetifvalue $0xFFFFFFFF  }
0x8a: {  	[tilespmem:s30], [sflag:$0x8] =	stream.indirect_vreg.gather [hbm4b:s1+s18], $0x1, v3, vm0, $0x4038;
	v3 =	vnsel vm15, $0xFFFFFFFE, v3;
	[tilespmem:$0x510] =	vst v63  }
0x8b: {  	s0 =	sadd.s32 s6, s0;
	s31 =	sadd.s32 $0x330, s28;
	[tilespmem:s26+$0xFFFFFF90] =	vst v3  }
0x8c: {  	[tilespmem:s31], [sflag:$0x8] =	stream.linear.gather [hbm:s0], $0x70, $0x38;
	[tilespmem:$0x510] =	vst v63  }
.LBB2_3:
0x8d: {  	p0 =	slt.u32 s25, $0x2  }
0x8e: {  	p1 =	sge.u32 @!p0 s25, s11  }
0x8f: {  	p0 =	por p0, p1  }
.Ltmp3:
0x90: {  	_ = 	snop;
	(pc) =	sbr.rel @p0 .LBB2_5-.Ltmp3, $1  }
0x91: {  	_ =	sdelay $0x3  }
0x92: {  	s0 =	smulhi.u32 $0xAAAAAAAB, s17;
	_ =	sdelay $0x1  }
0x93: {  	s0 =	sshrl.u32 s0, $0x1  }
0x94: {  	s0 =	smul.u32 $0xFFFFFAC0, s0;
	_ =	sdelay $0x1  }
0x95: {  	p0 =	sne.s32 s16, s22;
	s0 =	sshra.s32 s0, $0x2  }
0x96: {  	_ =	swait.ge [sflag:s8], $0xE0;
	s26 =	sshra.s32 @!p0 s22, $0x2;
	s0 =	sadd.s32 $0x100, s0  }
0x97: {  	[sflag:s8] =	ssyncset.done $0x0;
	s26 =	sadd.s32 @!p0 s26, s0  }
0x98: {  	[sflag:s8] =	ssyncadd.s32 $0xFFFFFF20;
	s26 =	sadd.s32 @!p0 $0xFFFFFF8F, s26  }
0x99: {  	[spmem:s12] =	stream.linear.scatter @!p0 [tilespmem:s26], [sflag:$0x1], $0x1, $0x38;
	[tilespmem:$0x510] =	vst v63  }
0x9a: {  	s26 =	simm.s32 @!p0 $0x1  }
0x9b: {  	_ =	swait.ge @!p0 [sflag:s26], $0x1  }
0x9c: {  	[sflag:s26] =	ssyncset.done @!p0 $0x0  }
0x9d: {  	s28 =	sand.u32 $0x10, s21;
	[sflag:s26] =	ssyncadd.s32 @!p0 $0xFFFFFFFF  }
0x9e: {  	s2 =	sxor.u32 $0x10, s28;
	v3 =	vld [tilespmem:s28+$0x10]  }
0x9f: {  	v5 =	vld [tilespmem:s2+$0x60]  }
0xa0: {  	v4 =	vld [tilespmem:$0x80];
	_ =	sdelay $0x2  }
0xa1: {  	(v2sf) =	vpush v3, $0x0  }
0xa2: {  	(v2sf) =	vpush v5, $0x0  }
0xa3: {  	(v2sf) =	vpush v4, $0x0;
	_ =	sdelay $0xc  }
0xa4: {  	s29 =	spop (v2sf)  }
0xa5: {  	s31 =	spop (v2sf)  }
0xa6: {  	s30 =	spop (v2sf)  }
0xa7: {  	p1 =	seq.s32 s29, s31;
	p2 =	seq.s32 s30, s29  }
0xa8: {  	p2 =	por p1, p2  }
0xa9: {  	s20 =	sand.u32 $0x1, s25;
	v3 =	vpsel p2, $0xFFFFFFFF, v3  }
0xaa: {  	s31 =	smul.u32 $0x70, s20;
	[tilespmem:s28+$0x10] =	vst.msk $0x1, v3  }
0xab: {  	v3 =	vld [tilespmem:$0x30]  }
0xac: {  	v34 =	vld [tilespmem:s31+$0x330]  }
0xad: {  	v6 =	vld [tilespmem:s28+$0x40];
	_ =	sdelay $0x3  }
0xae: {  	vm4 =	vmmov vm1;
	vm6 =	vmmov vm2;
	vm5 =	vlt.s32 v3, v34  }
0xaf: {  	vm4 =	vmmov @p1 vm2;
	v5 =	vsel vm5, v3, v34;
	vm5 =	vlt.s32 v3, v6  }
0xb0: {  	s29 =	sshll.u32 s20, $0x4;
	vm6 =	vmmov @p2 vm1;
	v3 =	vsel vm5, v3, v6;
	[tilespmem:s31+$0x330] =	vst.msk vm4, v5  }
0xb1: {  	[tilespmem:s29+$0x4F0] =	vst.msk vm6, v3  }
0xb2: {  	v3 =	vld [tilespmem:s31+$0x2B0];
	_ =	sdelay $0x4  }
0xb3: {  	v3 =	vshift.insert v3, v1, s19  }
0xb4: {  	s20 =	sor.u32 $0x40, s2  }
0xb5: {  	[tilespmem:s20+$0x0] =	vst.msk $0x1, v3;
	s20 =	sshra.s32 s22, $0x2  }
0xb6: {  	[tilespmem:s31+$0x2BF] =	vst.msk $0x1, v0;
	s0 =	sadd.s32 s20, s0  }
0xb7: {  	v3 =	vld [tilespmem:s0+$0xFFFFFF80];
	_ =	sdelay $0x4  }
0xb8: {  	v3 =	vshift.insert v3, v1, s19;
	_ =	sdelay $0x1  }
0xb9: {  	[tilespmem:s2+$0x10] =	vst.msk $0x1, v3  }
0xba: {  	v35 =	vld [tilespmem:s0+$0xFFFFFF20]  }
0xbb: {  	v5 =	vld [tilespmem:s31+$0x330];
	_ =	sdelay $0x4  }
0xbc: {  	vm5 =	vne.s32 v35, $0xFFFFFFFF;
	v5 =	vxor.u32 $0x80000000, v5  }
0xbd: {  	(xrf0) =	vmin.seg.scan.u32 vm5, v5;
	_ =	sdelay $0x1  }
0xbe: {  	v8 =	vperm.xlane v3, v1  }
0xbf: {  	v9 =	vld [tilespmem:s31+$0x250]  }
0xc0: {  	vm4 =	veq.s32 v35, v4;
	vm13 =	veq.s32 v35, v8  }
0xc1: {  	vm7 =	vgt.u32 v35, $0xFFFFFFFD;
	vm6 =	vmor vm13, vm4  }
0xc2: {  	vm6 =	vmor vm6, vm7;
	v5, _, _ =	vpop (xrf0)  }
0xc3: {  	v10 =	vsel vm6, $0xFFFFFFFF, v35;
	v5 =	vxor.u32 $0x80000000, v5  }
0xc4: {  	vm14 =	vlt.s32 v5, v9  }
0xc5: {  	v9 =	vsel vm14, v5, v9  }
0xc6: {  	v7 =	vld [tilespmem:$0xA0];
	v9 =	vsel vm4, v5, v9  }
0xc7: {  	s20 =	sadd.s32 $0x410, s31;
	v36 =	vld [tilespmem:$0x90];
	[tilespmem:s31+$0x410] =	vst v9;
	(ifvalue) =	ssetifvalue $0xFFFFFFFF  }
0xc8: {  	[hbm4b:s1+s18] =	stream.indirect_vreg.scatter [tilespmem:s20], [sflag:$0x2], $0x1, v10, vm0, $0x4038;
	[tilespmem:$0x510] =	vst v63  }
0xc9: {  	v37 =	vld [tilespmem:s31+$0x340]  }
0xca: {  	vm5 =	vmand vm5, vm3  }
0xcb: {  	v38 =	vsel vm5, $0x7FFFFFFF, v5;
	v11 =	vld [tilespmem:s0+$0xFFFFFF30]  }
0xcc: {  	v10 =	vshift.insert v38, v0, s19;
	_ =	sdelay $0x1  }
0xcd: {  	vm5 =	vlt.s32 v37, v10  }
0xce: {  	v9 =	vsel vm5, v37, v10  }
0xcf: {  	vm15 =	vne.s32 v11, $0xFFFFFFFF;
	v9 =	vxor.u32 $0x80000000, v9  }
0xd0: {  	(xrf0) =	vmin.seg.scan.u32 vm15, v9;
	_ =	sdelay $0x2  }
0xd1: {  	v39 =	vld [tilespmem:s31+$0x260]  }
0xd2: {  	vm12 =	veq.s32 v11, v8;
	vm5 =	veq.s32 v11, v4  }
0xd3: {  	vm8 =	vgt.u32 v11, $0xFFFFFFFD;
	vm7 =	vmor vm12, vm5  }
0xd4: {  	vm7 =	vmor vm7, vm8;
	v9, _, _ =	vpop (xrf0)  }
0xd5: {  	v11 =	vsel vm7, $0xFFFFFFFF, v11;
	v9 =	vxor.u32 $0x80000000, v9  }
0xd6: {  	vm13 =	vlt.s32 v9, v39  }
0xd7: {  	v10 =	vsel vm13, v9, v39  }
0xd8: {  	v10 =	vsel vm5, v9, v10  }
0xd9: {  	s20 =	sadd.s32 $0x420, s31;
	[tilespmem:s31+$0x420] =	vst v10;
	(ifvalue) =	ssetifvalue $0xFFFFFFFF  }
0xda: {  	[hbm4b:s1+s18] =	stream.indirect_vreg.scatter [tilespmem:s20], [sflag:$0x2], $0x1, v11, vm0, $0x4038;
	[tilespmem:$0x510] =	vst v63  }
0xdb: {  	v40 =	vld [tilespmem:s31+$0x350]  }
0xdc: {  	vm6 =	vmand vm15, vm3  }
0xdd: {  	v41 =	vsel vm6, $0x7FFFFFFF, v9;
	v12 =	vld [tilespmem:s0+$0xFFFFFF40]  }
0xde: {  	v11 =	vshift.insert v41, v0, s19;
	_ =	sdelay $0x1  }
0xdf: {  	vm14 =	vlt.s32 v40, v11  }
0xe0: {  	v10 =	vsel vm14, v40, v11  }
0xe1: {  	vm15 =	vne.s32 v12, $0xFFFFFFFF;
	v10 =	vxor.u32 $0x80000000, v10  }
0xe2: {  	(xrf0) =	vmin.seg.scan.u32 vm15, v10;
	_ =	sdelay $0x2  }
0xe3: {  	v42 =	vld [tilespmem:s31+$0x270]  }
0xe4: {  	vm6 =	veq.s32 v12, v4;
	vm12 =	veq.s32 v12, v8  }
0xe5: {  	vm9 =	vgt.u32 v12, $0xFFFFFFFD;
	vm8 =	vmor vm12, vm6  }
0xe6: {  	vm8 =	vmor vm8, vm9;
	v43, _, _ =	vpop (xrf0)  }
0xe7: {  	v12 =	vsel vm8, $0xFFFFFFFF, v12;
	v11 =	vxor.u32 $0x80000000, v43  }
0xe8: {  	vm13 =	vlt.s32 v11, v42  }
0xe9: {  	v10 =	vsel vm13, v11, v42  }
0xea: {  	v10 =	vsel vm6, v11, v10  }
0xeb: {  	s20 =	sadd.s32 $0x430, s31;
	[tilespmem:s31+$0x430] =	vst v10;
	(ifvalue) =	ssetifvalue $0xFFFFFFFF  }
0xec: {  	[hbm4b:s1+s18] =	stream.indirect_vreg.scatter [tilespmem:s20], [sflag:$0x2], $0x1, v12, vm0, $0x4038;
	[tilespmem:$0x510] =	vst v63  }
0xed: {  	v44 =	vld [tilespmem:s31+$0x360]  }
0xee: {  	vm7 =	vmand vm15, vm3  }
0xef: {  	v45 =	vsel vm7, $0x7FFFFFFF, v11;
	v13 =	vld [tilespmem:s0+$0xFFFFFF50]  }
0xf0: {  	v12 =	vshift.insert v45, v0, s19;
	_ =	sdelay $0x1  }
0xf1: {  	vm14 =	vlt.s32 v44, v12  }
0xf2: {  	v10 =	vsel vm14, v44, v12  }
0xf3: {  	vm15 =	vne.s32 v13, $0xFFFFFFFF;
	v10 =	vxor.u32 $0x80000000, v10  }
0xf4: {  	(xrf0) =	vmin.seg.scan.u32 vm15, v10;
	_ =	sdelay $0x2  }
0xf5: {  	v46 =	vld [tilespmem:s31+$0x280]  }
0xf6: {  	vm7 =	veq.s32 v13, v4;
	vm12 =	veq.s32 v13, v8  }
0xf7: {  	vm10 =	vgt.u32 v13, $0xFFFFFFFD;
	vm9 =	vmor vm12, vm7  }
0xf8: {  	vm9 =	vmor vm9, vm10;
	v47, _, _ =	vpop (xrf0)  }
0xf9: {  	v13 =	vsel vm9, $0xFFFFFFFF, v13;
	v12 =	vxor.u32 $0x80000000, v47  }
0xfa: {  	vm13 =	vlt.s32 v12, v46  }
0xfb: {  	v10 =	vsel vm13, v12, v46  }
0xfc: {  	v10 =	vsel vm7, v12, v10  }
0xfd: {  	s20 =	sadd.s32 $0x440, s31;
	[tilespmem:s31+$0x440] =	vst v10;
	(ifvalue) =	ssetifvalue $0xFFFFFFFF  }
0xfe: {  	[hbm4b:s1+s18] =	stream.indirect_vreg.scatter [tilespmem:s20], [sflag:$0x2], $0x1, v13, vm0, $0x4038;
	[tilespmem:$0x510] =	vst v63  }
0xff: {  	v48 =	vld [tilespmem:s31+$0x370]  }
0x100: {  	vm8 =	vmand vm15, vm3  }
0x101: {  	v49 =	vsel vm8, $0x7FFFFFFF, v12;
	v14 =	vld [tilespmem:s0+$0xFFFFFF60]  }
0x102: {  	v13 =	vshift.insert v49, v0, s19;
	_ =	sdelay $0x1  }
0x103: {  	vm14 =	vlt.s32 v48, v13  }
0x104: {  	v10 =	vsel vm14, v48, v13  }
0x105: {  	vm15 =	vne.s32 v14, $0xFFFFFFFF;
	v10 =	vxor.u32 $0x80000000, v10  }
0x106: {  	(xrf0) =	vmin.seg.scan.u32 vm15, v10;
	_ =	sdelay $0x2  }
0x107: {  	v50 =	vld [tilespmem:s31+$0x290]  }
0x108: {  	vm8 =	veq.s32 v14, v4;
	vm12 =	veq.s32 v14, v8  }
0x109: {  	vm11 =	vgt.u32 v14, $0xFFFFFFFD;
	vm10 =	vmor vm12, vm8  }
0x10a: {  	vm10 =	vmor vm10, vm11;
	v51, _, _ =	vpop (xrf0)  }
0x10b: {  	v14 =	vsel vm10, $0xFFFFFFFF, v14;
	v13 =	vxor.u32 $0x80000000, v51  }
0x10c: {  	vm13 =	vlt.s32 v13, v50  }
0x10d: {  	v10 =	vsel vm13, v13, v50  }
0x10e: {  	v10 =	vsel vm8, v13, v10  }
0x10f: {  	s20 =	sadd.s32 $0x450, s31;
	[tilespmem:s31+$0x450] =	vst v10;
	(ifvalue) =	ssetifvalue $0xFFFFFFFF  }
0x110: {  	[hbm4b:s1+s18] =	stream.indirect_vreg.scatter [tilespmem:s20], [sflag:$0x2], $0x1, v14, vm0, $0x4038;
	[tilespmem:$0x510] =	vst v63  }
0x111: {  	v52 =	vld [tilespmem:s31+$0x380]  }
0x112: {  	vm9 =	vmand vm15, vm3  }
0x113: {  	v53 =	vsel vm9, $0x7FFFFFFF, v13;
	v15 =	vld [tilespmem:s0+$0xFFFFFF70]  }
0x114: {  	v14 =	vshift.insert v53, v0, s19;
	_ =	sdelay $0x1  }
0x115: {  	vm14 =	vlt.s32 v52, v14  }
0x116: {  	v10 =	vsel vm14, v52, v14  }
0x117: {  	vm10 =	vne.s32 v15, $0xFFFFFFFF;
	v10 =	vxor.u32 $0x80000000, v10  }
0x118: {  	(xrf0) =	vmin.seg.scan.u32 vm10, v10;
	_ =	sdelay $0x2  }
0x119: {  	v54 =	vld [tilespmem:s31+$0x2A0]  }
0x11a: {  	vm9 =	veq.s32 v15, v4;
	vm11 =	veq.s32 v15, v8  }
0x11b: {  	vm12 =	vgt.u32 v15, $0xFFFFFFFD;
	vm11 =	vmor vm11, vm9  }
0x11c: {  	vm11 =	vmor vm11, vm12;
	v55, _, _ =	vpop (xrf0)  }
0x11d: {  	v15 =	vsel vm11, $0xFFFFFFFF, v15;
	v14 =	vxor.u32 $0x80000000, v55  }
0x11e: {  	vm15 =	vlt.s32 v14, v54  }
0x11f: {  	v10 =	vsel vm15, v14, v54  }
0x120: {  	v10 =	vsel vm9, v14, v10  }
0x121: {  	s20 =	sadd.s32 $0x460, s31;
	[tilespmem:s31+$0x460] =	vst v10;
	(ifvalue) =	ssetifvalue $0xFFFFFFFF  }
0x122: {  	[hbm4b:s1+s18] =	stream.indirect_vreg.scatter [tilespmem:s20], [sflag:$0x2], $0x1, v15, vm0, $0x4038;
	[tilespmem:$0x510] =	vst v63  }
0x123: {  	v56 =	vld [tilespmem:s31+$0x390]  }
0x124: {  	vm10 =	vmand vm10, vm3  }
0x125: {  	v57 =	vsel vm10, $0x7FFFFFFF, v14;
	v16 =	vld [tilespmem:s0+$0xFFFFFF80]  }
0x126: {  	v15 =	vshift.insert v57, v0, s19;
	_ =	sdelay $0x1  }
0x127: {  	vm12 =	vlt.s32 v56, v15  }
0x128: {  	v10 =	vsel vm12, v56, v15  }
0x129: {  	vm13 =	vne.s32 v16, $0xFFFFFFFF;
	v10 =	vxor.u32 $0x80000000, v10  }
0x12a: {  	(xrf0) =	vmin.seg.scan.u32 vm13, v10;
	_ =	sdelay $0x2  }
0x12b: {  	v58 =	vld [tilespmem:s31+$0x2B0]  }
0x12c: {  	vm10 =	veq.s32 v16, v4;
	vm11 =	veq.s32 v16, v8  }
0x12d: {  	vm12 =	vgt.u32 v16, $0xFFFFFFFD;
	vm11 =	vmor vm11, vm10  }
0x12e: {  	vm11 =	vmor vm11, vm12;
	v59, _, _ =	vpop (xrf0)  }
0x12f: {  	v60 =	vsel vm11, $0xFFFFFFFF, v16;
	v4 =	vxor.u32 $0x80000000, v59  }
0x130: {  	vm14 =	vlt.s32 v4, v58  }
0x131: {  	v10 =	vsel vm14, v4, v58  }
0x132: {  	v10 =	vsel vm10, v4, v10  }
0x133: {  	s2 =	sadd.s32 $0x470, s31;
	[tilespmem:s31+$0x470] =	vst v10;
	(ifvalue) =	ssetifvalue $0xFFFFFFFF  }
0x134: {  	[hbm4b:s1+s18] =	stream.indirect_vreg.scatter [tilespmem:s2], [sflag:$0x2], $0x1, v60, vm0, $0x4038;
	[tilespmem:$0x510] =	vst v63  }
0x135: {  	vm15 =	veq.s32 v7, $0x1;
	v61 =	vld [tilespmem:s31+$0x470]  }
0x136: {  	v5 =	vsel vm4, v5, v36;
	vm11 =	vmor vm15, vm4  }
0x137: {  	v5 =	vsel vm5, v9, v5;
	vm4 =	vmor vm11, vm5  }
0x138: {  	v5 =	vsel vm6, v11, v5;
	vm4 =	vmor vm4, vm6  }
0x139: {  	v5 =	vsel vm7, v12, v5;
	vm4 =	vmor vm4, vm7  }
0x13a: {  	v5 =	vsel vm8, v13, v5;
	vm4 =	vmor vm4, vm8;
	v62 =	vshift.insert v61, v1, s19  }
0x13b: {  	v5 =	vsel vm9, v14, v5;
	s20 =	simm.s32 $0x30;
	vm4 =	vmor vm4, vm9  }
0x13c: {  	vm4 =	vmor vm4, vm10;
	v4 =	vsel vm10, v4, v5;
	[tilespmem:s20+$0x0] =	vst.msk $0x1, v62  }
0x13d: {  	v63 =	vsel vm4, $0x1, v1;
	[tilespmem:$0x90] =	vst v4  }
0x13e: {  	s0 =	sadd.s32 @!p0 $0x47F, s31;
	[tilespmem:$0xA0] =	vst v63  }
0x13f: {  	[spmem:s13] =	stream.linear.scatter @!p0 [tilespmem:s0], [sflag:$0x1], $0x1, $0x38;
	[tilespmem:$0x510] =	vst v63  }
0x140: {  	v4 =	vmctz.xlane @!p0 vm4;
	_ =	swait.ge @!p0 [sflag:s26], $0x1  }
0x141: {  	(v2sf) =	vpush @!p0 v3, $0x0  }
0x142: {  	(v2sf) =	vpush @!p0 v4, $0x0;
	_ =	sdelay $0xd  }
0x143: {  	s0 =	spop @!p0 (v2sf)  }
0x144: {  	s2 =	spop @!p0 (v2sf)  }
0x145: {  	p1 =	sne.s32 @!p0 s30, s0;
	p2 =	slt.s32 @!p0 s2, $0xF  }
0x146: {  	[sflag:s26] =	ssyncset.done @!p0 $0x0;
	p1 =	por p1, p0;
	p2 =	por !p2, p0  }
0x147: {  	[sflag:s26] =	ssyncadd.s32 @!p0 $0xFFFFFFFF;
	v3 =	vimm.s32 @!p1 $0xFFFFFFFF;
	s2 =	simm.s32 @p2 $0xF  }
0x148: {  	[tilespmem:$0x80] =	vst @!p1 v3;
	s0 =	sadd.s32 @!p0 $0x90, s2  }
0x149: {  	[spmem:s10] =	stream.linear.scatter @!p0 [tilespmem:s0], [sflag:$0x1], $0x1, $0x38;
	[tilespmem:$0x510] =	vst v63  }
0x14a: {  	_ =	swait.ge @!p0 [sflag:s26], $0x1  }
0x14b: {  	[sflag:s26] =	ssyncset.done @!p0 $0x0  }
0x14c: {  	s0 =	simm.s32 @!p0 $0x80;
	[sflag:s26] =	ssyncadd.s32 @!p0 $0xFFFFFFFF  }
0x14d: {  	[spmem:s14] =	stream.linear.scatter @!p0 [tilespmem:s0], [sflag:$0x1], $0x1, $0x38;
	[tilespmem:$0x510] =	vst v63  }
0x14e: {  	_ =	swait.ge @!p0 [sflag:s26], $0x1  }
0x14f: {  	[sflag:s26] =	ssyncset.done @!p0 $0x0  }
0x150: {  	[sflag:s26] =	ssyncadd.s32 @!p0 $0xFFFFFFFF;
	(ifvalue) =	ssetifvalue $0xFFFFFFFF;
	v3 =	vld [tilespmem:s28+$0x10];
	_ =	sdelay $0x3  }
.Ltmp4:
0x151: {  	_ = 	snop;
	(pc) =	sbr.rel .LBB2_5-.Ltmp4, $3  }
0x152: {  	_ =	sdelay $0x1  }
0x153: {  	s31 =	sadd.s32 $0x4F0, s29;
	(ifvalue) =	ssetifvalue $0xFFFFFFFF  }
0x154: {  	[hbm4b:s1+s18] =	stream.indirect_vreg.scatter [tilespmem:s31], [sflag:$0x9], $0x1, v3, vm0, $0x4038;
	[tilespmem:$0x510] =	vst v63  }
.LBB2_6:
0x155: {  	_ =	sfence.sel $0x180000  }
0x156: {  	s0 =	simm.s32 $0x7;
	[bflag:$0x0] =	sbarrier.arrive $0xFFFF  }
0x157: {  	s26 =	simm.s32 $0x8;
	[sflag:s0] =	ssyncpa.u1 $0x1  }
0x158: {  	s28 =	simm.s32 $0x9;
	[sflag:s26] =	ssyncpa.u1 $0x1  }
0x159: {  	[sflag:s28] =	ssyncpa.u1 $0x1  }
0x15a: {  	_ =	sfence.stream.spmem  }
0x15b: {  	s29 =	simm.s32 $0x3;
	[bflag:$0x0] =	sbarrier.arrive $0xFFFF  }
0x15c: {  	s30 =	simm.s32 $0x4;
	[sflag:s29] =	ssyncpa.u1 $0x1  }
0x15d: {  	s31 =	simm.s32 $0x3C;
	s2 =	stileid.u32;
	[sflag:s30] =	ssyncpa.u1 $0x1  }
0x15e: {  	p0 =	sne.s32 s2, $0x0;
	[sflag:s31] =	ssyncpa.u1 $0x1  }
0x15f: {  	s0 =	simm.s32 @p0 $0x1;
	_ =	sfence @p0  }
0x160: {  	[sflag:s0] =	ssyncpa.u1 @p0 $0x1;
	s0 =	simm.s32 @p0 $0x2  }
0x161: {  	[sflag:s0] =	ssyncpa.u1 @p0 $0x1  }
0x162: {  	_ =	strace @p0 $0x90000047  }
0x163: {  	[bflag:$0x2] =	sbarrier.arrive @p0 $0xFFFF  }
0x164: {  	_ =	shalt @p0  }
.LBB2_7:
0x165: {  	_ =	sfence.stream.spmem;
	s2 =	simm.s32 $0x5  }
0x166: {  	s0 =	simm.s32 $0x80;
	s3 =	simm.s32 $0xC0;
	[sflag:s2] =	ssyncpa.u1 $0x0  }
0x167: {  	[tilespmem:s3], [sflag:$0x5] =	stream.linear.gather [spmem:s0], $0x20, $0x38;
	[tilespmem:$0x510] =	vst v63  }
0x168: {  	s30 =	simm.s32 $0xE0;
	s0 =	simm.s32 $0x0  }
0x169: {  	[tilespmem:s30], [sflag:$0x5] =	stream.linear.gather [spmem:s0], $0x20, $0x38;
	[tilespmem:$0x510] =	vst v63  }
.Ltmp5:
0x16a: {  	_ = 	snop;
	(pc) =	sbr.rel .LBB2_8-.Ltmp5, $4  }
0x16b: {  	_ =	swait.ge [sflag:s2], $0x40  }
0x16c: {  	[sflag:s2] =	ssyncset.done $0x0  }
0x16d: {  	s31 =	simm.s32 $0x6;
	[sflag:s2] =	ssyncadd.s32 $0xFFFFFFC0  }
0x16e: {  	s2 =	simm.s32 $0x0;
	[sflag:s31] =	ssyncpa.u1 $0x0  }
.LBB2_13:
0x16f: {  	p0 =	sgt.u32 s3, $0x7FF  }
0x170: {  	s4 =	sshrl.u32 @!p0 s3, $0x3  }
0x171: {  	s3 =	sand.u32 @!p0 $0x7, s3;
	s5 =	simm.s32 @!p0 $0xB0;
	s4 =	sadd.s32 @!p0 s1, s4  }
0x172: {  	[tilespmem:s5], [sflag:$0x6] =	stream.linear.gather @!p0 [hbm4b:s4+s3], $0x1, $0x38;
	[tilespmem:$0x510] =	vst v63  }
0x173: {  	s3 =	simm.s32 @!p0 $0x6  }
0x174: {  	_ =	swait.ge @!p0 [sflag:s3], $0x1  }
0x175: {  	[sflag:s3] =	ssyncset.done @!p0 $0x0  }
0x176: {  	[sflag:s3] =	ssyncadd.s32 @!p0 $0xFFFFFFFF  }
0x177: {  	v1 =	vld.msk @!p0 [tilespmem:$0xB0], $0x1  }
0x178: {  	v2 =	vld.msk @!p0 [tilespmem:s2+$0xE0], $0x1;
	_ =	sdelay $0x4  }
0x179: {  	vm0 =	vlt.s32 @!p0 v2, v1  }
0x17a: {  	v1 =	vsel @!p0 vm0, v2, v1  }
0x17b: {  	[tilespmem:s2+$0xE0] =	vst.msk @!p0 $0x1, v1  }
0x17c: {  	[tilespmem:s0+$0xC0] =	vst.msk $0x1, v0  }
0x17d: {  	v0 =	vld.msk [tilespmem:s2+$0xE0], $0x1;
	_ =	sdelay $0x4  }
0x17e: {  	[tilespmem:s0+$0xE0] =	vst.msk $0x1, v0;
	s0 =	sadd.s32 $0x1, s0  }
.LBB2_15:
0x17f: {  	s2 =	sadd.s32 $0x1, s2  }
0x180: {  	p0 =	sne.s32 s2, $0x20  }
.Ltmp6:
0x181: {  	_ = 	snop;
	(pc) =	sbr.rel @!p0 .LBB2_16-.Ltmp6, $1  }
0x182: {  	_ =	sdelay $0x3  }
.LBB2_8:
0x183: {  	v0 =	vld.msk [tilespmem:s2+$0xC0], $0x1;
	_ =	sdelay $0x4  }
0x184: {  	(v2sf) =	vpush v0, $0x0;
	_ =	sdelay $0xe  }
0x185: {  	s3 =	spop (v2sf)  }
0x186: {  	p0 =	seq.s32 s3, $0xFFFFFFFF  }
.Ltmp7:
0x187: {  	_ = 	snop;
	(pc) =	sbr.rel @p0 .LBB2_15-.Ltmp7, $1  }
0x188: {  	_ =	sdelay $0x3  }
0x189: {  	p0 =	slt.s32 s0, $0x1  }
.Ltmp8:
0x18a: {  	_ = 	snop;
	(pc) =	sbr.rel @p0 .LBB2_13-.Ltmp8, $1  }
0x18b: {  	_ =	sdelay $0x3  }
0x18c: {  	s4 =	simm.s32 $0xC0;
	p0 =	por $0x0, $0x0  }
0x18d: {  	v1 =	vld.msk @!p0 [tilespmem:s4+$0x0], $0x1;
	_ =	sdelay $0x4  }
0x18e: {  	(v2sf) =	vpush @!p0 v1, $0x0;
	_ =	sdelay $0xd  }
0x18f: {  	p2 =	sne.s32 s0, $0x1  }
.Ltmp9:
0x190: {  	s5 =	spop @!p0 (v2sf);
	(pc) =	sbr.rel @!p2 .LBB2_12-.Ltmp9, $4  }
0x191: {  	p1 =	seq.s32 @!p0 s3, s5  }
0x192: {  	s5 =	simm.s32 $0x0;
	p1 =	por !p1, p0  }
0x193: {  	s7 =	simm.s32 $0xFFFFFFFF;
	s5 =	simm.s32 @p1 $0xFFFFFFFF  }
0x194: {  	s6 =	simm.s32 $0x1;
	s5 =	smov.u32 @p0 s7  }
.LBB2_11:
0x195: {  	s7 =	smov.u32 s5;
	p0 =	sne.s32 s5, $0xFFFFFFFF  }
0x196: {  	s4 =	sadd.s32 $0x1, s4;
	s5 =	smov.u32 s6;
	s6 =	sadd.s32 $0x1, s6  }
0x197: {  	p1 =	sne.s32 s0, s6;
	v1 =	vld.msk @!p0 [tilespmem:s4+$0x0], $0x1;
	_ =	sdelay $0x4  }
0x198: {  	(v2sf) =	vpush @!p0 v1, $0x0;
	_ =	sdelay $0xe  }
.Ltmp10:
0x199: {  	s8 =	spop @!p0 (v2sf);
	(pc) =	sbr.rel @p1 .LBB2_11-.Ltmp10, $4  }
0x19a: {  	p2 =	seq.s32 @!p0 s3, s8  }
0x19b: {  	p2 =	por !p2, p0  }
0x19c: {  	s5 =	simm.s32 @p2 $0xFFFFFFFF  }
0x19d: {  	s5 =	smov.u32 @p0 s7  }
.LBB2_12:
0x19e: {  	p0 =	sne.s32 s5, $0xFFFFFFFF  }
.Ltmp11:
0x19f: {  	_ = 	snop;
	(pc) =	sbr.rel @!p0 .LBB2_13-.Ltmp11, $1  }
0x1a0: {  	_ =	sdelay $0x3  }
0x1a1: {  	v0 =	vld.msk [tilespmem:s2+$0xE0], $0x1  }
0x1a2: {  	v1 =	vld.msk [tilespmem:s5+$0xE0], $0x1;
	_ =	sdelay $0x2  }
.Ltmp12:
0x1a3: {  	_ = 	snop;
	(pc) =	sbr.rel .LBB2_15-.Ltmp12, $4  }
0x1a4: {  	_ = 	snop  }
0x1a5: {  	vm0 =	vlt.s32 v1, v0  }
0x1a6: {  	v0 =	vsel vm0, v1, v0  }
0x1a7: {  	[tilespmem:s5+$0xE0] =	vst.msk $0x1, v0  }
.LBB2_16:
0x1a8: {  	p0 =	slt.s32 s0, $0x1  }
.Ltmp13:
0x1a9: {  	_ = 	snop;
	(pc) =	sbr.rel @p0 .LBB2_20-.Ltmp13, $3  }
0x1aa: {  	_ =	sdelay $0x1  }
0x1ab: {  	s2 =	simm.s32 $0x6  }
0x1ac: {  	[sflag:s2] =	ssyncpa.u1 $0x1;
	s2 =	simm.s32 $0x0  }
0x1ad: {  	s3 =	simm.s32 $0xC0  }
0x1ae: {  	v0 =	vld.msk [tilespmem:s3+$0x0], $0x1;
	_ =	sdelay $0x4  }
0x1af: {  	(v2sf) =	vpush v0, $0x0;
	_ =	sdelay $0xe  }
0x1b0: {  	s0 =	sadd.s32 $0xFFFFFFFF, s0;
	s4 =	spop (v2sf)  }
0x1b1: {  	p1 =	sne.s32 s0, $0x0;
	p0 =	sgt.u32 s4, $0x7FF  }
.Ltmp14:
0x1b2: {  	s5 =	sshrl.u32 @!p0 s4, $0x3;
	(pc) =	sbr.rel @!p1 .LBB2_19-.Ltmp14, $4  }
0x1b3: {  	s3 =	simm.s32 $0xE0;
	s4 =	sand.u32 @!p0 $0x7, s4;
	s5 =	sadd.s32 @!p0 s1, s5  }
0x1b4: {  	[hbm4b:s5+s4] =	stream.linear.scatter @!p0 [tilespmem:s3], [sflag:$0x5], $0x1, $0x38;
	[tilespmem:$0x510] =	vst v63  }
0x1b5: {  	s5 =	simm.s32 $0x0  }
0x1b6: {  	s4 =	simm.s32 $0xC1;
	s5 =	simm.s32 @!p0 $0x4  }
.LBB2_18:
0x1b7: {  	v0 =	vld.msk [tilespmem:s4+$0x0], $0x1;
	s0 =	sadd.s32 $0xFFFFFFFF, s0;
	s2 =	sadd.s32 s2, s5  }
0x1b8: {  	p0 =	sne.s32 s0, $0x0;
	_ =	sdelay $0x3  }
0x1b9: {  	(v2sf) =	vpush v0, $0x0;
	_ =	sdelay $0xe  }
.Ltmp15:
0x1ba: {  	s6 =	spop (v2sf);
	(pc) =	sbr.rel @p0 .LBB2_18-.Ltmp15, $4  }
0x1bb: {  	s5 =	simm.s32 $0x0;
	p1 =	sgt.u32 s6, $0x7FF  }
0x1bc: {  	s3 =	sadd.s32 $0x1, s3;
	s5 =	simm.s32 @!p1 $0x4;
	s7 =	sshrl.u32 @!p1 s6, $0x3  }
0x1bd: {  	s4 =	sadd.s32 $0x1, s4;
	s6 =	sand.u32 @!p1 $0x7, s6;
	s7 =	sadd.s32 @!p1 s1, s7  }
0x1be: {  	[hbm4b:s7+s6] =	stream.linear.scatter @!p1 [tilespmem:s3], [sflag:$0x5], $0x1, $0x38;
	[tilespmem:$0x510] =	vst v63  }
.LBB2_19:
0x1bf: {  	s0 =	sadd.s32 s2, s5  }
0x1c0: {  	s2 =	sshrl.u32 s0, $0x2  }
.LBB2_20:
0x1c1: {  	s0 =	simm.s32 $0x5  }
0x1c2: {  	_ =	swait.ge [sflag:s0], s2  }
0x1c3: {  	s1 =	ssub.s32 $0x0, s2;
	[sflag:s0] =	ssyncset.done $0x0  }
0x1c4: {  	[sflag:s0] =	ssyncadd.s32 s1  }
0x1c5: {  	[sflag:s0] =	ssyncpa.u1 $0x1  }
0x1c6: {  	s29 =	simm.s32 $0x1;
	_ =	sfence  }
0x1c7: {  	s30 =	simm.s32 $0x2;
	[sflag:s29] =	ssyncpa.u1 $0x1  }
0x1c8: {  	[sflag:s30] =	ssyncpa.u1 $0x1  }
0x1c9: {  	_ =	strace $0x90000047  }
0x1ca: {  	[bflag:$0x2] =	sbarrier.arrive $0xFFFF  }
0x1cb: {  	s31 =	rddreg [dreg:$0x1]  }
0x1cc: {  	s0 =	sadd.s32 $0x100000, s31  }
0x1cd: {  	[sflag:s0] =	ssyncadd.tile.s32 $0x1;
	_ =	shalt  }
.Lfunc_end2:
_tile_overlayer_lowered:
.L_overlay_start_2:
0x1ce: {  	(tag) =	ssettag $0x2  }
0x1cf: {  	s0 =	rddreg [dreg:$0x0];
	s2 =	stileid.u32  }
0x1d0: {  	s1 =	rddreg [dreg:$0x1];
	p0 =	sne.s32 s2, $0x0  }
0x1d1: {  	s3 =	rddreg [dreg:$0x2];
	[bflag:$0x3] =	sbarrier.arrive $0xFFFF;
	s2 =	simm.s32 @!p0 $0x1C01  }
0x1d2: {  	[timem:s3], [sflag:s2] =	dma.local @!p0 [hbm:s0], s1  }
0x1d3: {  	s0 =	simm.s32 @!p0 $0x1  }
0x1d4: {  	_ =	swait.ge @!p0 [sflag:s0], s1  }
0x1d5: {  	s1 =	ssub.s32 @!p0 $0x0, s1;
	[sflag:s0] =	ssyncset.done @!p0 $0x0  }
0x1d6: {  	[sflag:s0] =	ssyncadd.s32 @!p0 s1  }
0x1d7: {  	[bflag:$0x3] =	sbarrier.arrive $0xFFFF  }
0x1d8: {  	_ =	shalt  }

</sc_bundles>
